<compile_context>
chip_gen: v7x
topology: tpu7x:2x2x1
jax: 0.10.2.dev20260603
libtpu: 0.0.44.dev20260713+nightly
codegen_flags: <defaults>
</compile_context>

<pallas_src>
import functools

import jax
import jax.numpy as jnp
from jax import lax
from jax.experimental import pallas as pl
from jax.experimental.pallas import tpu as pltpu
from jax.experimental.pallas import tpu_sc as plsc

B = 16384
N_TAB = 1000001
DIM = 64
NUM_FEAT = 16
OUT_D = DIM + NUM_FEAT

NC = 2
NS = 16
NW = NC * NS
BPW = B // NW
L = 16
K = 8
TAIL_C = 999936 // 128


@functools.partial(
    pl.kernel,
    out_type=jax.ShapeDtypeStruct((OUT_D, B), jnp.float32),
    mesh=plsc.VectorSubcoreMesh(core_axis_name="c", subcore_axis_name="s"),
    compiler_params=pltpu.CompilerParams(needs_layout_passes=False),
    scratch_types=[
        pltpu.VMEM((BPW + L,), jnp.int32),
        pltpu.VMEM((K, DIM, 128), jnp.float32),
        pltpu.VMEM((OUT_D, BPW), jnp.float32),
        pltpu.SemaphoreType.DMA,
        pltpu.SemaphoreType.DMA,
    ],
)
def _sc_panel_gather(idx_hbm, numt_hbm, tabt_hbm, tailt_hbm, outt_hbm,
                     idx_v, panel_v, out_v, gsem, nsem):
    wid = lax.axis_index("s") * NC + lax.axis_index("c")
    base = wid * BPW

    pltpu.sync_copy(idx_hbm.at[pl.ds(base, BPW)], idx_v.at[pl.ds(0, BPW)])
    ncopy = pltpu.async_copy(
        numt_hbm.at[:, pl.ds(base, BPW)],
        out_v.at[pl.ds(DIM, NUM_FEAT)], nsem)

    iota = lax.iota(jnp.int32, L)

    def fire(cs, j):
        @pl.when(cs <= TAIL_C - 1)
        def _():
            off = pl.multiple_of(cs * 128, 128)
            pltpu.async_copy(
                tabt_hbm.at[:, pl.ds(off, 128)], panel_v.at[j], gsem)

        @pl.when(cs >= TAIL_C)
        def _():
            pltpu.async_copy(tailt_hbm, panel_v.at[j], gsem)

    v0 = idx_v[pl.ds(0, L)]
    vc0 = lax.shift_right_logical(v0, 7)
    for j in range(K):
        fire(vc0[j], j)

    def ring(it, carry):
        i0 = it * K
        v = idx_v[pl.ds(i0, L)]
        vc = lax.shift_right_logical(v, 7)
        vq = v & 127
        for j in range(K):
            pltpu.make_async_copy(tailt_hbm, panel_v.at[j], gsem).wait()
            q16 = lax.broadcast(vq[j], (L,))
            i16 = lax.broadcast(i0 + j, (L,))
            for k in range(DIM // L):
                col = plsc.load_gather(
                    panel_v, [lax.broadcast(j, (L,)), iota + (k * L), q16])
                plsc.store_scatter(out_v, [iota + (k * L), i16], col)

            @pl.when(i0 + K + j < BPW)
            def _():
                fire(vc[K + j], j)
        return carry

    lax.fori_loop(0, BPW // K, ring, 0)

    ncopy.wait()
    pltpu.sync_copy(out_v, outt_hbm.at[:, pl.ds(base, BPW)])


def kernel(c_emb_input, c_numeric, emb_table):
    idx = c_emb_input.astype(jnp.int32)
    tabt = emb_table.T
    tailt = jnp.pad(tabt[:, TAIL_C * 128:1000000], ((0, 0), (0, 64)))
    outt = _sc_panel_gather(idx, c_numeric.T, tabt, tailt)
    return outt.T

# --- scband reference (transcript-rebuilt; emitter-appended) ---
"""Pipeline reference for scband-candidate-model-49658411877046 (READ-ONLY COPY).

The authoritative reference and input builder live on the scoring server;
editing this copy changes nothing except your own understanding.
"""

import jax, jax.numpy as jnp
import numpy as np

B = 16384
N_C = 1000000
DIM = 64
NUM_FEAT = 16

def setup_inputs(seed: int = 0) -> dict:
    key = jax.random.key(seed)
    k1, k2, k3 = jax.random.split(key, 3)
    c_emb_input = jax.random.randint(k1, (B,), 0, N_C, dtype=jnp.int64 if jax.config.jax_enable_x64 else jnp.int32)
    c_numeric = jax.random.normal(k2, (B, NUM_FEAT), dtype=jnp.float32)
    # learned embedding table: input_dim = n_c + 1
    emb_table = jax.random.normal(k3, (N_C + 1, DIM), dtype=jnp.float32) * 0.05
    return {"c_emb_input": c_emb_input, "c_numeric": c_numeric, "emb_table": emb_table}

def reference(c_emb_input, c_numeric, emb_table):
    # c_emb branch: Embedding lookup followed by Flatten.
    # Input is rank-1 [B], so Embedding yields [B, DIM]; Flatten is a no-op on [B, DIM].
    emb = jnp.take(emb_table, c_emb_input, axis=0)  # [B, DIM]
    emb = emb.reshape(emb.shape[0], -1)  # Flatten
    # c_numeric branch: cast to float32
    num = c_numeric.astype(jnp.float32)
    # concat along axis=1 (subtype/oracle branches disabled via hp)
    out = jnp.concatenate([emb, num], axis=1)  # [B, DIM + NUM_FEAT]
    return out

if __name__ == "__main__":
    import jax
    _d = setup_inputs()
    print(jax.jit(kernel)(*tuple(_d.values())))

</pallas_src>

<mosaic_0001>
#map = affine_map<(d0, d1) -> (0)>
#map1 = affine_map<(d0, d1) -> (0, 0)>
module attributes {stable_mosaic.version = 14 : i64} {
  func.func @_sc_panel_gather(%arg0: i32, %arg1: i32, %arg2: memref<16384xi32, #tpu.memory_space<hbm>>, %arg3: memref<16x16384xf32, #tpu.memory_space<hbm>>, %arg4: memref<64x1000001xf32, #tpu.memory_space<hbm>>, %arg5: memref<64x128xf32, #tpu.memory_space<hbm>>, %arg6: memref<80x16384xf32, #tpu.memory_space<hbm>>, %arg7: memref<528xi32, #tpu.memory_space<vmem>>, %arg8: memref<8x64x128xf32, #tpu.memory_space<vmem>>, %arg9: memref<80x512xf32, #tpu.memory_space<vmem>>, %arg10: memref<!tpu.dma_semaphore, #tpu.memory_space<semaphore_mem>>, %arg11: memref<!tpu.dma_semaphore, #tpu.memory_space<semaphore_mem>>) attributes {dimension_semantics = [#tpu.dimension_semantics<core_parallel>, #tpu.dimension_semantics<subcore_parallel>], iteration_bounds = array<i64: 2, 16>, scalar_prefetch = 0 : i64, scratch_operands = 5 : i64, tpu.core_type = #tpu.core_type<sc_vector_subcore>, window_params = [{transform_indices = #map}, {transform_indices = #map1}, {transform_indices = #map1}, {transform_indices = #map1}, {transform_indices = #map1}]} {
    %mul3A = arith.constant 2 : i32
    %mul3A_0 = arith.muli %arg1, %mul3A : i32
    %add3A = arith.addi %mul3A_0, %arg0 : i32
    %mul3A_1 = arith.constant 512 : i32
    %mul3A_2 = arith.muli %add3A, %mul3A_1 : i32
    "tpu.region"() ({
      %run_scoped3A = tpu.sem_alloc : memref<!tpu.dma_semaphore, #tpu.memory_space<semaphore_mem>>
      %dma_start3A_119 = arith.constant 0 : i32
      %dma_start3A_120 = tpu.memref_slice %arg7[%dma_start3A_119] : memref<528xi32, #tpu.memory_space<vmem>> -> memref<512xi32, #tpu.memory_space<vmem>>
      %dma_start3A_121 = tpu.memref_slice %arg2[%mul3A_2] : memref<16384xi32, #tpu.memory_space<hbm>> -> memref<512xi32, #tpu.memory_space<hbm>>
      %dma_start3A_122 = arith.constant 0 : i32
      %dma_start3A_123 = tpu.memref_slice %arg7[%dma_start3A_122] : memref<528xi32, #tpu.memory_space<vmem>> -> memref<512xi32, #tpu.memory_space<vmem>>
      %dma_start3A_124 = tpu.memref_slice %arg2[%mul3A_2] : memref<16384xi32, #tpu.memory_space<hbm>> -> memref<512xi32, #tpu.memory_space<hbm>>
      tpu.enqueue_dma source(%dma_start3A_124 : memref<512xi32, #tpu.memory_space<hbm>>) target(%dma_start3A_123 : memref<512xi32, #tpu.memory_space<vmem>>) target_semaphore(%run_scoped3A : memref<!tpu.dma_semaphore, #tpu.memory_space<semaphore_mem>>)
      %dma_wait3A_125 = arith.constant 0 : i32
      %dma_wait3A_126 = tpu.memref_slice %arg7[%dma_wait3A_125] : memref<528xi32, #tpu.memory_space<vmem>> -> memref<512xi32, #tpu.memory_space<vmem>>
      %dma_wait3A_127 = tpu.memref_slice %arg2[%mul3A_2] : memref<16384xi32, #tpu.memory_space<hbm>> -> memref<512xi32, #tpu.memory_space<hbm>>
      %dma_wait3A_128 = arith.constant 0 : i32
      %dma_wait3A_129 = tpu.memref_slice %arg7[%dma_wait3A_128] : memref<528xi32, #tpu.memory_space<vmem>> -> memref<512xi32, #tpu.memory_space<vmem>>
      %dma_wait3A_130 = tpu.memref_slice %arg2[%mul3A_2] : memref<16384xi32, #tpu.memory_space<hbm>> -> memref<512xi32, #tpu.memory_space<hbm>>
      tpu.wait_dma2 semaphore(%run_scoped3A : memref<!tpu.dma_semaphore, #tpu.memory_space<semaphore_mem>>) src(%dma_wait3A_130 : memref<512xi32, #tpu.memory_space<hbm>>) dst(%dma_wait3A_129 : memref<512xi32, #tpu.memory_space<vmem>>)
      tpu.yield
    }) : () -> ()
    %dma_start3A = arith.constant 64 : i32
    %dma_start3A_3 = arith.constant 0 : i32
    %dma_start3A_4 = tpu.memref_slice %arg9[%dma_start3A, %dma_start3A_3] : memref<80x512xf32, #tpu.memory_space<vmem>> -> memref<16x512xf32, #tpu.memory_space<vmem>>
    %dma_start3A_5 = arith.constant 0 : i32
    %dma_start3A_6 = tpu.memref_slice %arg3[%dma_start3A_5, %mul3A_2] : memref<16x16384xf32, #tpu.memory_space<hbm>> -> memref<16x512xf32, #tpu.memory_space<hbm>>
    %dma_start3A_7 = arith.constant 64 : i32
    %dma_start3A_8 = arith.constant 0 : i32
    %dma_start3A_9 = tpu.memref_slice %arg9[%dma_start3A_7, %dma_start3A_8] : memref<80x512xf32, #tpu.memory_space<vmem>> -> memref<16x512xf32, #tpu.memory_space<vmem>>
    %dma_start3A_10 = arith.constant 0 : i32
    %dma_start3A_11 = tpu.memref_slice %arg3[%dma_start3A_10, %mul3A_2] : memref<16x16384xf32, #tpu.memory_space<hbm>> -> memref<16x512xf32, #tpu.memory_space<hbm>>
    tpu.enqueue_dma source(%dma_start3A_11 : memref<16x512xf32, #tpu.memory_space<hbm>>) target(%dma_start3A_9 : memref<16x512xf32, #tpu.memory_space<vmem>>) target_semaphore(%arg11 : memref<!tpu.dma_semaphore, #tpu.memory_space<semaphore_mem>>)
    %iota3A = tpu.iota {dimensions = array<i32: 0>} : vector<16xi32>
    %get3A = arith.constant 0 : index
    %get3A_12 = tpu.vector_load %arg7[%get3A] {strides = array<i32>} : memref<528xi32, #tpu.memory_space<vmem>>, vector<16xi32>,
    %shift_right_logical3A = arith.constant 7 : i32
    %shift_right_logical3A_13 = vector.broadcast %shift_right_logical3A : i32 to vector<16xi32>
    %shift_right_logical3A_14 = arith.shrui %get3A_12, %shift_right_logical3A_13 : vector<16xi32>
    %slice3A = vector.extract_strided_slice %shift_right_logical3A_14 {offsets = [0], sizes = [1], strides = [1]} : vector<16xi32> to vector<1xi32>
    %squeeze3A = vector.extract %slice3A[0] : i32 from vector<1xi32>
    %le3A = arith.constant 7811 : i32
    %le3A_15 = arith.cmpi sle, %squeeze3A, %le3A : i32
    %convert_element_type3A = arith.extui %le3A_15 : i1 to i32
    %cond3A = arith.constant 0 : i32
    %cond3A_16 = arith.cmpi ne, %convert_element_type3A, %cond3A : i32
    scf.if %cond3A_16 {
      %mul3A_119 = arith.constant 128 : i32
      %mul3A_120 = arith.muli %squeeze3A, %mul3A_119 : i32
      %multiple_of3A = tpu.assume_multiple %mul3A_120, 128 : i32
      %dma_start3A_121 = arith.constant 0 : i32
      %dma_start3A_122 = arith.constant 0 : i32
      %dma_start3A_123 = arith.constant 0 : i32
      %dma_start3A_124 = tpu.memref_slice %arg8[%dma_start3A_121, %dma_start3A_122, %dma_start3A_123] : memref<8x64x128xf32, #tpu.memory_space<vmem>> -> memref<1x64x128xf32, #tpu.memory_space<vmem>>
      %dma_start3A_125 = tpu.memref_squeeze %dma_start3A_124 : memref<1x64x128xf32, #tpu.memory_space<vmem>> -> memref<64x128xf32, #tpu.memory_space<vmem>>
      %dma_start3A_126 = arith.constant 0 : i32
      %dma_start3A_127 = tpu.memref_slice %arg4[%dma_start3A_126, %multiple_of3A] : memref<64x1000001xf32, #tpu.memory_space<hbm>> -> memref<64x128xf32, #tpu.memory_space<hbm>>
      %dma_start3A_128 = arith.constant 0 : i32
      %dma_start3A_129 = arith.constant 0 : i32
      %dma_start3A_130 = tpu.memref_slice %arg8[%dma_start3A_121, %dma_start3A_128, %dma_start3A_129] : memref<8x64x128xf32, #tpu.memory_space<vmem>> -> memref<1x64x128xf32, #tpu.memory_space<vmem>>
      %dma_start3A_131 = tpu.memref_squeeze %dma_start3A_130 : memref<1x64x128xf32, #tpu.memory_space<vmem>> -> memref<64x128xf32, #tpu.memory_space<vmem>>
      %dma_start3A_132 = arith.constant 0 : i32
      %dma_start3A_133 = tpu.memref_slice %arg4[%dma_start3A_132, %multiple_of3A] : memref<64x1000001xf32, #tpu.memory_space<hbm>> -> memref<64x128xf32, #tpu.memory_space<hbm>>
      tpu.enqueue_dma source(%dma_start3A_133 : memref<64x128xf32, #tpu.memory_space<hbm>>) target(%dma_start3A_131 : memref<64x128xf32, #tpu.memory_space<vmem>>) target_semaphore(%arg10 : memref<!tpu.dma_semaphore, #tpu.memory_space<semaphore_mem>>)
    } else {
    }
    %ge3A = arith.constant 7812 : i32
    %ge3A_17 = arith.cmpi sge, %squeeze3A, %ge3A : i32
    %convert_element_type3A_18 = arith.extui %ge3A_17 : i1 to i32
    %cond3A_19 = arith.constant 0 : i32
    %cond3A_20 = arith.cmpi ne, %convert_element_type3A_18, %cond3A_19 : i32
    scf.if %cond3A_20 {
      %dma_start3A_119 = arith.constant 0 : i32
      %dma_start3A_120 = arith.constant 0 : i32
      %dma_start3A_121 = arith.constant 0 : i32
      %dma_start3A_122 = tpu.memref_slice %arg8[%dma_start3A_119, %dma_start3A_120, %dma_start3A_121] : memref<8x64x128xf32, #tpu.memory_space<vmem>> -> memref<1x64x128xf32, #tpu.memory_space<vmem>>
      %dma_start3A_123 = tpu.memref_squeeze %dma_start3A_122 : memref<1x64x128xf32, #tpu.memory_space<vmem>> -> memref<64x128xf32, #tpu.memory_space<vmem>>
      %dma_start3A_124 = arith.constant 0 : i32
      %dma_start3A_125 = arith.constant 0 : i32
      %dma_start3A_126 = tpu.memref_slice %arg8[%dma_start3A_119, %dma_start3A_124, %dma_start3A_125] : memref<8x64x128xf32, #tpu.memory_space<vmem>> -> memref<1x64x128xf32, #tpu.memory_space<vmem>>
      %dma_start3A_127 = tpu.memref_squeeze %dma_start3A_126 : memref<1x64x128xf32, #tpu.memory_space<vmem>> -> memref<64x128xf32, #tpu.memory_space<vmem>>
      tpu.enqueue_dma source(%arg5 : memref<64x128xf32, #tpu.memory_space<hbm>>) target(%dma_start3A_127 : memref<64x128xf32, #tpu.memory_space<vmem>>) target_semaphore(%arg10 : memref<!tpu.dma_semaphore, #tpu.memory_space<semaphore_mem>>)
    } else {
    }
    %slice3A_21 = vector.extract_strided_slice %shift_right_logical3A_14 {offsets = [1], sizes = [1], strides = [1]} : vector<16xi32> to vector<1xi32>
    %squeeze3A_22 = vector.extract %slice3A_21[0] : i32 from vector<1xi32>
    %le3A_23 = arith.constant 7811 : i32
    %le3A_24 = arith.cmpi sle, %squeeze3A_22, %le3A_23 : i32
    %convert_element_type3A_25 = arith.extui %le3A_24 : i1 to i32
    %cond3A_26 = arith.constant 0 : i32
    %cond3A_27 = arith.cmpi ne, %convert_element_type3A_25, %cond3A_26 : i32
    scf.if %cond3A_27 {
      %mul3A_119 = arith.constant 128 : i32
      %mul3A_120 = arith.muli %squeeze3A_22, %mul3A_119 : i32
      %multiple_of3A = tpu.assume_multiple %mul3A_120, 128 : i32
      %dma_start3A_121 = arith.constant 1 : i32
      %dma_start3A_122 = arith.constant 0 : i32
      %dma_start3A_123 = arith.constant 0 : i32
      %dma_start3A_124 = tpu.memref_slice %arg8[%dma_start3A_121, %dma_start3A_122, %dma_start3A_123] : memref<8x64x128xf32, #tpu.memory_space<vmem>> -> memref<1x64x128xf32, #tpu.memory_space<vmem>>
      %dma_start3A_125 = tpu.memref_squeeze %dma_start3A_124 : memref<1x64x128xf32, #tpu.memory_space<vmem>> -> memref<64x128xf32, #tpu.memory_space<vmem>>
      %dma_start3A_126 = arith.constant 0 : i32
      %dma_start3A_127 = tpu.memref_slice %arg4[%dma_start3A_126, %multiple_of3A] : memref<64x1000001xf32, #tpu.memory_space<hbm>> -> memref<64x128xf32, #tpu.memory_space<hbm>>
      %dma_start3A_128 = arith.constant 0 : i32
      %dma_start3A_129 = arith.constant 0 : i32
      %dma_start3A_130 = tpu.memref_slice %arg8[%dma_start3A_121, %dma_start3A_128, %dma_start3A_129] : memref<8x64x128xf32, #tpu.memory_space<vmem>> -> memref<1x64x128xf32, #tpu.memory_space<vmem>>
      %dma_start3A_131 = tpu.memref_squeeze %dma_start3A_130 : memref<1x64x128xf32, #tpu.memory_space<vmem>> -> memref<64x128xf32, #tpu.memory_space<vmem>>
      %dma_start3A_132 = arith.constant 0 : i32
      %dma_start3A_133 = tpu.memref_slice %arg4[%dma_start3A_132, %multiple_of3A] : memref<64x1000001xf32, #tpu.memory_space<hbm>> -> memref<64x128xf32, #tpu.memory_space<hbm>>
      tpu.enqueue_dma source(%dma_start3A_133 : memref<64x128xf32, #tpu.memory_space<hbm>>) target(%dma_start3A_131 : memref<64x128xf32, #tpu.memory_space<vmem>>) target_semaphore(%arg10 : memref<!tpu.dma_semaphore, #tpu.memory_space<semaphore_mem>>)
    } else {
    }
    %ge3A_28 = arith.constant 7812 : i32
    %ge3A_29 = arith.cmpi sge, %squeeze3A_22, %ge3A_28 : i32
    %convert_element_type3A_30 = arith.extui %ge3A_29 : i1 to i32
    %cond3A_31 = arith.constant 0 : i32
    %cond3A_32 = arith.cmpi ne, %convert_element_type3A_30, %cond3A_31 : i32
    scf.if %cond3A_32 {
      %dma_start3A_119 = arith.constant 1 : i32
      %dma_start3A_120 = arith.constant 0 : i32
      %dma_start3A_121 = arith.constant 0 : i32
      %dma_start3A_122 = tpu.memref_slice %arg8[%dma_start3A_119, %dma_start3A_120, %dma_start3A_121] : memref<8x64x128xf32, #tpu.memory_space<vmem>> -> memref<1x64x128xf32, #tpu.memory_space<vmem>>
      %dma_start3A_123 = tpu.memref_squeeze %dma_start3A_122 : memref<1x64x128xf32, #tpu.memory_space<vmem>> -> memref<64x128xf32, #tpu.memory_space<vmem>>
      %dma_start3A_124 = arith.constant 0 : i32
      %dma_start3A_125 = arith.constant 0 : i32
      %dma_start3A_126 = tpu.memref_slice %arg8[%dma_start3A_119, %dma_start3A_124, %dma_start3A_125] : memref<8x64x128xf32, #tpu.memory_space<vmem>> -> memref<1x64x128xf32, #tpu.memory_space<vmem>>
      %dma_start3A_127 = tpu.memref_squeeze %dma_start3A_126 : memref<1x64x128xf32, #tpu.memory_space<vmem>> -> memref<64x128xf32, #tpu.memory_space<vmem>>
      tpu.enqueue_dma source(%arg5 : memref<64x128xf32, #tpu.memory_space<hbm>>) target(%dma_start3A_127 : memref<64x128xf32, #tpu.memory_space<vmem>>) target_semaphore(%arg10 : memref<!tpu.dma_semaphore, #tpu.memory_space<semaphore_mem>>)
    } else {
    }
    %slice3A_33 = vector.extract_strided_slice %shift_right_logical3A_14 {offsets = [2], sizes = [1], strides = [1]} : vector<16xi32> to vector<1xi32>
    %squeeze3A_34 = vector.extract %slice3A_33[0] : i32 from vector<1xi32>
    %le3A_35 = arith.constant 7811 : i32
    %le3A_36 = arith.cmpi sle, %squeeze3A_34, %le3A_35 : i32
    %convert_element_type3A_37 = arith.extui %le3A_36 : i1 to i32
    %cond3A_38 = arith.constant 0 : i32
    %cond3A_39 = arith.cmpi ne, %convert_element_type3A_37, %cond3A_38 : i32
    scf.if %cond3A_39 {
      %mul3A_119 = arith.constant 128 : i32
      %mul3A_120 = arith.muli %squeeze3A_34, %mul3A_119 : i32
      %multiple_of3A = tpu.assume_multiple %mul3A_120, 128 : i32
      %dma_start3A_121 = arith.constant 2 : i32
      %dma_start3A_122 = arith.constant 0 : i32
      %dma_start3A_123 = arith.constant 0 : i32
      %dma_start3A_124 = tpu.memref_slice %arg8[%dma_start3A_121, %dma_start3A_122, %dma_start3A_123] : memref<8x64x128xf32, #tpu.memory_space<vmem>> -> memref<1x64x128xf32, #tpu.memory_space<vmem>>
      %dma_start3A_125 = tpu.memref_squeeze %dma_start3A_124 : memref<1x64x128xf32, #tpu.memory_space<vmem>> -> memref<64x128xf32, #tpu.memory_space<vmem>>
      %dma_start3A_126 = arith.constant 0 : i32
      %dma_start3A_127 = tpu.memref_slice %arg4[%dma_start3A_126, %multiple_of3A] : memref<64x1000001xf32, #tpu.memory_space<hbm>> -> memref<64x128xf32, #tpu.memory_space<hbm>>
      %dma_start3A_128 = arith.constant 0 : i32
      %dma_start3A_129 = arith.constant 0 : i32
      %dma_start3A_130 = tpu.memref_slice %arg8[%dma_start3A_121, %dma_start3A_128, %dma_start3A_129] : memref<8x64x128xf32, #tpu.memory_space<vmem>> -> memref<1x64x128xf32, #tpu.memory_space<vmem>>
      %dma_start3A_131 = tpu.memref_squeeze %dma_start3A_130 : memref<1x64x128xf32, #tpu.memory_space<vmem>> -> memref<64x128xf32, #tpu.memory_space<vmem>>
      %dma_start3A_132 = arith.constant 0 : i32
      %dma_start3A_133 = tpu.memref_slice %arg4[%dma_start3A_132, %multiple_of3A] : memref<64x1000001xf32, #tpu.memory_space<hbm>> -> memref<64x128xf32, #tpu.memory_space<hbm>>
      tpu.enqueue_dma source(%dma_start3A_133 : memref<64x128xf32, #tpu.memory_space<hbm>>) target(%dma_start3A_131 : memref<64x128xf32, #tpu.memory_space<vmem>>) target_semaphore(%arg10 : memref<!tpu.dma_semaphore, #tpu.memory_space<semaphore_mem>>)
    } else {
    }
    %ge3A_40 = arith.constant 7812 : i32
    %ge3A_41 = arith.cmpi sge, %squeeze3A_34, %ge3A_40 : i32
    %convert_element_type3A_42 = arith.extui %ge3A_41 : i1 to i32
    %cond3A_43 = arith.constant 0 : i32
    %cond3A_44 = arith.cmpi ne, %convert_element_type3A_42, %cond3A_43 : i32
    scf.if %cond3A_44 {
      %dma_start3A_119 = arith.constant 2 : i32
      %dma_start3A_120 = arith.constant 0 : i32
      %dma_start3A_121 = arith.constant 0 : i32
      %dma_start3A_122 = tpu.memref_slice %arg8[%dma_start3A_119, %dma_start3A_120, %dma_start3A_121] : memref<8x64x128xf32, #tpu.memory_space<vmem>> -> memref<1x64x128xf32, #tpu.memory_space<vmem>>
      %dma_start3A_123 = tpu.memref_squeeze %dma_start3A_122 : memref<1x64x128xf32, #tpu.memory_space<vmem>> -> memref<64x128xf32, #tpu.memory_space<vmem>>
      %dma_start3A_124 = arith.constant 0 : i32
      %dma_start3A_125 = arith.constant 0 : i32
      %dma_start3A_126 = tpu.memref_slice %arg8[%dma_start3A_119, %dma_start3A_124, %dma_start3A_125] : memref<8x64x128xf32, #tpu.memory_space<vmem>> -> memref<1x64x128xf32, #tpu.memory_space<vmem>>
      %dma_start3A_127 = tpu.memref_squeeze %dma_start3A_126 : memref<1x64x128xf32, #tpu.memory_space<vmem>> -> memref<64x128xf32, #tpu.memory_space<vmem>>
      tpu.enqueue_dma source(%arg5 : memref<64x128xf32, #tpu.memory_space<hbm>>) target(%dma_start3A_127 : memref<64x128xf32, #tpu.memory_space<vmem>>) target_semaphore(%arg10 : memref<!tpu.dma_semaphore, #tpu.memory_space<semaphore_mem>>)
    } else {
    }
    %slice3A_45 = vector.extract_strided_slice %shift_right_logical3A_14 {offsets = [3], sizes = [1], strides = [1]} : vector<16xi32> to vector<1xi32>
    %squeeze3A_46 = vector.extract %slice3A_45[0] : i32 from vector<1xi32>
    %le3A_47 = arith.constant 7811 : i32
    %le3A_48 = arith.cmpi sle, %squeeze3A_46, %le3A_47 : i32
    %convert_element_type3A_49 = arith.extui %le3A_48 : i1 to i32
    %cond3A_50 = arith.constant 0 : i32
    %cond3A_51 = arith.cmpi ne, %convert_element_type3A_49, %cond3A_50 : i32
    scf.if %cond3A_51 {
      %mul3A_119 = arith.constant 128 : i32
      %mul3A_120 = arith.muli %squeeze3A_46, %mul3A_119 : i32
      %multiple_of3A = tpu.assume_multiple %mul3A_120, 128 : i32
      %dma_start3A_121 = arith.constant 3 : i32
      %dma_start3A_122 = arith.constant 0 : i32
      %dma_start3A_123 = arith.constant 0 : i32
      %dma_start3A_124 = tpu.memref_slice %arg8[%dma_start3A_121, %dma_start3A_122, %dma_start3A_123] : memref<8x64x128xf32, #tpu.memory_space<vmem>> -> memref<1x64x128xf32, #tpu.memory_space<vmem>>
      %dma_start3A_125 = tpu.memref_squeeze %dma_start3A_124 : memref<1x64x128xf32, #tpu.memory_space<vmem>> -> memref<64x128xf32, #tpu.memory_space<vmem>>
      %dma_start3A_126 = arith.constant 0 : i32
      %dma_start3A_127 = tpu.memref_slice %arg4[%dma_start3A_126, %multiple_of3A] : memref<64x1000001xf32, #tpu.memory_space<hbm>> -> memref<64x128xf32, #tpu.memory_space<hbm>>
      %dma_start3A_128 = arith.constant 0 : i32
      %dma_start3A_129 = arith.constant 0 : i32
      %dma_start3A_130 = tpu.memref_slice %arg8[%dma_start3A_121, %dma_start3A_128, %dma_start3A_129] : memref<8x64x128xf32, #tpu.memory_space<vmem>> -> memref<1x64x128xf32, #tpu.memory_space<vmem>>
      %dma_start3A_131 = tpu.memref_squeeze %dma_start3A_130 : memref<1x64x128xf32, #tpu.memory_space<vmem>> -> memref<64x128xf32, #tpu.memory_space<vmem>>
      %dma_start3A_132 = arith.constant 0 : i32
      %dma_start3A_133 = tpu.memref_slice %arg4[%dma_start3A_132, %multiple_of3A] : memref<64x1000001xf32, #tpu.memory_space<hbm>> -> memref<64x128xf32, #tpu.memory_space<hbm>>
      tpu.enqueue_dma source(%dma_start3A_133 : memref<64x128xf32, #tpu.memory_space<hbm>>) target(%dma_start3A_131 : memref<64x128xf32, #tpu.memory_space<vmem>>) target_semaphore(%arg10 : memref<!tpu.dma_semaphore, #tpu.memory_space<semaphore_mem>>)
    } else {
    }
    %ge3A_52 = arith.constant 7812 : i32
    %ge3A_53 = arith.cmpi sge, %squeeze3A_46, %ge3A_52 : i32
    %convert_element_type3A_54 = arith.extui %ge3A_53 : i1 to i32
    %cond3A_55 = arith.constant 0 : i32
    %cond3A_56 = arith.cmpi ne, %convert_element_type3A_54, %cond3A_55 : i32
    scf.if %cond3A_56 {
      %dma_start3A_119 = arith.constant 3 : i32
      %dma_start3A_120 = arith.constant 0 : i32
      %dma_start3A_121 = arith.constant 0 : i32
      %dma_start3A_122 = tpu.memref_slice %arg8[%dma_start3A_119, %dma_start3A_120, %dma_start3A_121] : memref<8x64x128xf32, #tpu.memory_space<vmem>> -> memref<1x64x128xf32, #tpu.memory_space<vmem>>
      %dma_start3A_123 = tpu.memref_squeeze %dma_start3A_122 : memref<1x64x128xf32, #tpu.memory_space<vmem>> -> memref<64x128xf32, #tpu.memory_space<vmem>>
      %dma_start3A_124 = arith.constant 0 : i32
      %dma_start3A_125 = arith.constant 0 : i32
      %dma_start3A_126 = tpu.memref_slice %arg8[%dma_start3A_119, %dma_start3A_124, %dma_start3A_125] : memref<8x64x128xf32, #tpu.memory_space<vmem>> -> memref<1x64x128xf32, #tpu.memory_space<vmem>>
      %dma_start3A_127 = tpu.memref_squeeze %dma_start3A_126 : memref<1x64x128xf32, #tpu.memory_space<vmem>> -> memref<64x128xf32, #tpu.memory_space<vmem>>
      tpu.enqueue_dma source(%arg5 : memref<64x128xf32, #tpu.memory_space<hbm>>) target(%dma_start3A_127 : memref<64x128xf32, #tpu.memory_space<vmem>>) target_semaphore(%arg10 : memref<!tpu.dma_semaphore, #tpu.memory_space<semaphore_mem>>)
    } else {
    }
    %slice3A_57 = vector.extract_strided_slice %shift_right_logical3A_14 {offsets = [4], sizes = [1], strides = [1]} : vector<16xi32> to vector<1xi32>
    %squeeze3A_58 = vector.extract %slice3A_57[0] : i32 from vector<1xi32>
    %le3A_59 = arith.constant 7811 : i32
    %le3A_60 = arith.cmpi sle, %squeeze3A_58, %le3A_59 : i32
    %convert_element_type3A_61 = arith.extui %le3A_60 : i1 to i32
    %cond3A_62 = arith.constant 0 : i32
    %cond3A_63 = arith.cmpi ne, %convert_element_type3A_61, %cond3A_62 : i32
    scf.if %cond3A_63 {
      %mul3A_119 = arith.constant 128 : i32
      %mul3A_120 = arith.muli %squeeze3A_58, %mul3A_119 : i32
      %multiple_of3A = tpu.assume_multiple %mul3A_120, 128 : i32
      %dma_start3A_121 = arith.constant 4 : i32
      %dma_start3A_122 = arith.constant 0 : i32
      %dma_start3A_123 = arith.constant 0 : i32
      %dma_start3A_124 = tpu.memref_slice %arg8[%dma_start3A_121, %dma_start3A_122, %dma_start3A_123] : memref<8x64x128xf32, #tpu.memory_space<vmem>> -> memref<1x64x128xf32, #tpu.memory_space<vmem>>
      %dma_start3A_125 = tpu.memref_squeeze %dma_start3A_124 : memref<1x64x128xf32, #tpu.memory_space<vmem>> -> memref<64x128xf32, #tpu.memory_space<vmem>>
      %dma_start3A_126 = arith.constant 0 : i32
      %dma_start3A_127 = tpu.memref_slice %arg4[%dma_start3A_126, %multiple_of3A] : memref<64x1000001xf32, #tpu.memory_space<hbm>> -> memref<64x128xf32, #tpu.memory_space<hbm>>
      %dma_start3A_128 = arith.constant 0 : i32
      %dma_start3A_129 = arith.constant 0 : i32
      %dma_start3A_130 = tpu.memref_slice %arg8[%dma_start3A_121, %dma_start3A_128, %dma_start3A_129] : memref<8x64x128xf32, #tpu.memory_space<vmem>> -> memref<1x64x128xf32, #tpu.memory_space<vmem>>
      %dma_start3A_131 = tpu.memref_squeeze %dma_start3A_130 : memref<1x64x128xf32, #tpu.memory_space<vmem>> -> memref<64x128xf32, #tpu.memory_space<vmem>>
      %dma_start3A_132 = arith.constant 0 : i32
      %dma_start3A_133 = tpu.memref_slice %arg4[%dma_start3A_132, %multiple_of3A] : memref<64x1000001xf32, #tpu.memory_space<hbm>> -> memref<64x128xf32, #tpu.memory_space<hbm>>
      tpu.enqueue_dma source(%dma_start3A_133 : memref<64x128xf32, #tpu.memory_space<hbm>>) target(%dma_start3A_131 : memref<64x128xf32, #tpu.memory_space<vmem>>) target_semaphore(%arg10 : memref<!tpu.dma_semaphore, #tpu.memory_space<semaphore_mem>>)
    } else {
    }
    %ge3A_64 = arith.constant 7812 : i32
    %ge3A_65 = arith.cmpi sge, %squeeze3A_58, %ge3A_64 : i32
    %convert_element_type3A_66 = arith.extui %ge3A_65 : i1 to i32
    %cond3A_67 = arith.constant 0 : i32
    %cond3A_68 = arith.cmpi ne, %convert_element_type3A_66, %cond3A_67 : i32
    scf.if %cond3A_68 {
      %dma_start3A_119 = arith.constant 4 : i32
      %dma_start3A_120 = arith.constant 0 : i32
      %dma_start3A_121 = arith.constant 0 : i32
      %dma_start3A_122 = tpu.memref_slice %arg8[%dma_start3A_119, %dma_start3A_120, %dma_start3A_121] : memref<8x64x128xf32, #tpu.memory_space<vmem>> -> memref<1x64x128xf32, #tpu.memory_space<vmem>>
      %dma_start3A_123 = tpu.memref_squeeze %dma_start3A_122 : memref<1x64x128xf32, #tpu.memory_space<vmem>> -> memref<64x128xf32, #tpu.memory_space<vmem>>
      %dma_start3A_124 = arith.constant 0 : i32
      %dma_start3A_125 = arith.constant 0 : i32
      %dma_start3A_126 = tpu.memref_slice %arg8[%dma_start3A_119, %dma_start3A_124, %dma_start3A_125] : memref<8x64x128xf32, #tpu.memory_space<vmem>> -> memref<1x64x128xf32, #tpu.memory_space<vmem>>
      %dma_start3A_127 = tpu.memref_squeeze %dma_start3A_126 : memref<1x64x128xf32, #tpu.memory_space<vmem>> -> memref<64x128xf32, #tpu.memory_space<vmem>>
      tpu.enqueue_dma source(%arg5 : memref<64x128xf32, #tpu.memory_space<hbm>>) target(%dma_start3A_127 : memref<64x128xf32, #tpu.memory_space<vmem>>) target_semaphore(%arg10 : memref<!tpu.dma_semaphore, #tpu.memory_space<semaphore_mem>>)
    } else {
    }
    %slice3A_69 = vector.extract_strided_slice %shift_right_logical3A_14 {offsets = [5], sizes = [1], strides = [1]} : vector<16xi32> to vector<1xi32>
    %squeeze3A_70 = vector.extract %slice3A_69[0] : i32 from vector<1xi32>
    %le3A_71 = arith.constant 7811 : i32
    %le3A_72 = arith.cmpi sle, %squeeze3A_70, %le3A_71 : i32
    %convert_element_type3A_73 = arith.extui %le3A_72 : i1 to i32
    %cond3A_74 = arith.constant 0 : i32
    %cond3A_75 = arith.cmpi ne, %convert_element_type3A_73, %cond3A_74 : i32
    scf.if %cond3A_75 {
      %mul3A_119 = arith.constant 128 : i32
      %mul3A_120 = arith.muli %squeeze3A_70, %mul3A_119 : i32
      %multiple_of3A = tpu.assume_multiple %mul3A_120, 128 : i32
      %dma_start3A_121 = arith.constant 5 : i32
      %dma_start3A_122 = arith.constant 0 : i32
      %dma_start3A_123 = arith.constant 0 : i32
      %dma_start3A_124 = tpu.memref_slice %arg8[%dma_start3A_121, %dma_start3A_122, %dma_start3A_123] : memref<8x64x128xf32, #tpu.memory_space<vmem>> -> memref<1x64x128xf32, #tpu.memory_space<vmem>>
      %dma_start3A_125 = tpu.memref_squeeze %dma_start3A_124 : memref<1x64x128xf32, #tpu.memory_space<vmem>> -> memref<64x128xf32, #tpu.memory_space<vmem>>
      %dma_start3A_126 = arith.constant 0 : i32
      %dma_start3A_127 = tpu.memref_slice %arg4[%dma_start3A_126, %multiple_of3A] : memref<64x1000001xf32, #tpu.memory_space<hbm>> -> memref<64x128xf32, #tpu.memory_space<hbm>>
      %dma_start3A_128 = arith.constant 0 : i32
      %dma_start3A_129 = arith.constant 0 : i32
      %dma_start3A_130 = tpu.memref_slice %arg8[%dma_start3A_121, %dma_start3A_128, %dma_start3A_129] : memref<8x64x128xf32, #tpu.memory_space<vmem>> -> memref<1x64x128xf32, #tpu.memory_space<vmem>>
      %dma_start3A_131 = tpu.memref_squeeze %dma_start3A_130 : memref<1x64x128xf32, #tpu.memory_space<vmem>> -> memref<64x128xf32, #tpu.memory_space<vmem>>
      %dma_start3A_132 = arith.constant 0 : i32
      %dma_start3A_133 = tpu.memref_slice %arg4[%dma_start3A_132, %multiple_of3A] : memref<64x1000001xf32, #tpu.memory_space<hbm>> -> memref<64x128xf32, #tpu.memory_space<hbm>>
      tpu.enqueue_dma source(%dma_start3A_133 : memref<64x128xf32, #tpu.memory_space<hbm>>) target(%dma_start3A_131 : memref<64x128xf32, #tpu.memory_space<vmem>>) target_semaphore(%arg10 : memref<!tpu.dma_semaphore, #tpu.memory_space<semaphore_mem>>)
    } else {
    }
    %ge3A_76 = arith.constant 7812 : i32
    %ge3A_77 = arith.cmpi sge, %squeeze3A_70, %ge3A_76 : i32
    %convert_element_type3A_78 = arith.extui %ge3A_77 : i1 to i32
    %cond3A_79 = arith.constant 0 : i32
    %cond3A_80 = arith.cmpi ne, %convert_element_type3A_78, %cond3A_79 : i32
    scf.if %cond3A_80 {
      %dma_start3A_119 = arith.constant 5 : i32
      %dma_start3A_120 = arith.constant 0 : i32
      %dma_start3A_121 = arith.constant 0 : i32
      %dma_start3A_122 = tpu.memref_slice %arg8[%dma_start3A_119, %dma_start3A_120, %dma_start3A_121] : memref<8x64x128xf32, #tpu.memory_space<vmem>> -> memref<1x64x128xf32, #tpu.memory_space<vmem>>
      %dma_start3A_123 = tpu.memref_squeeze %dma_start3A_122 : memref<1x64x128xf32, #tpu.memory_space<vmem>> -> memref<64x128xf32, #tpu.memory_space<vmem>>
      %dma_start3A_124 = arith.constant 0 : i32
      %dma_start3A_125 = arith.constant 0 : i32
      %dma_start3A_126 = tpu.memref_slice %arg8[%dma_start3A_119, %dma_start3A_124, %dma_start3A_125] : memref<8x64x128xf32, #tpu.memory_space<vmem>> -> memref<1x64x128xf32, #tpu.memory_space<vmem>>
      %dma_start3A_127 = tpu.memref_squeeze %dma_start3A_126 : memref<1x64x128xf32, #tpu.memory_space<vmem>> -> memref<64x128xf32, #tpu.memory_space<vmem>>
      tpu.enqueue_dma source(%arg5 : memref<64x128xf32, #tpu.memory_space<hbm>>) target(%dma_start3A_127 : memref<64x128xf32, #tpu.memory_space<vmem>>) target_semaphore(%arg10 : memref<!tpu.dma_semaphore, #tpu.memory_space<semaphore_mem>>)
    } else {
    }
    %slice3A_81 = vector.extract_strided_slice %shift_right_logical3A_14 {offsets = [6], sizes = [1], strides = [1]} : vector<16xi32> to vector<1xi32>
    %squeeze3A_82 = vector.extract %slice3A_81[0] : i32 from vector<1xi32>
    %le3A_83 = arith.constant 7811 : i32
    %le3A_84 = arith.cmpi sle, %squeeze3A_82, %le3A_83 : i32
    %convert_element_type3A_85 = arith.extui %le3A_84 : i1 to i32
    %cond3A_86 = arith.constant 0 : i32
    %cond3A_87 = arith.cmpi ne, %convert_element_type3A_85, %cond3A_86 : i32
    scf.if %cond3A_87 {
      %mul3A_119 = arith.constant 128 : i32
      %mul3A_120 = arith.muli %squeeze3A_82, %mul3A_119 : i32
      %multiple_of3A = tpu.assume_multiple %mul3A_120, 128 : i32
      %dma_start3A_121 = arith.constant 6 : i32
      %dma_start3A_122 = arith.constant 0 : i32
      %dma_start3A_123 = arith.constant 0 : i32
      %dma_start3A_124 = tpu.memref_slice %arg8[%dma_start3A_121, %dma_start3A_122, %dma_start3A_123] : memref<8x64x128xf32, #tpu.memory_space<vmem>> -> memref<1x64x128xf32, #tpu.memory_space<vmem>>
      %dma_start3A_125 = tpu.memref_squeeze %dma_start3A_124 : memref<1x64x128xf32, #tpu.memory_space<vmem>> -> memref<64x128xf32, #tpu.memory_space<vmem>>
      %dma_start3A_126 = arith.constant 0 : i32
      %dma_start3A_127 = tpu.memref_slice %arg4[%dma_start3A_126, %multiple_of3A] : memref<64x1000001xf32, #tpu.memory_space<hbm>> -> memref<64x128xf32, #tpu.memory_space<hbm>>
      %dma_start3A_128 = arith.constant 0 : i32
      %dma_start3A_129 = arith.constant 0 : i32
      %dma_start3A_130 = tpu.memref_slice %arg8[%dma_start3A_121, %dma_start3A_128, %dma_start3A_129] : memref<8x64x128xf32, #tpu.memory_space<vmem>> -> memref<1x64x128xf32, #tpu.memory_space<vmem>>
      %dma_start3A_131 = tpu.memref_squeeze %dma_start3A_130 : memref<1x64x128xf32, #tpu.memory_space<vmem>> -> memref<64x128xf32, #tpu.memory_space<vmem>>
      %dma_start3A_132 = arith.constant 0 : i32
      %dma_start3A_133 = tpu.memref_slice %arg4[%dma_start3A_132, %multiple_of3A] : memref<64x1000001xf32, #tpu.memory_space<hbm>> -> memref<64x128xf32, #tpu.memory_space<hbm>>
      tpu.enqueue_dma source(%dma_start3A_133 : memref<64x128xf32, #tpu.memory_space<hbm>>) target(%dma_start3A_131 : memref<64x128xf32, #tpu.memory_space<vmem>>) target_semaphore(%arg10 : memref<!tpu.dma_semaphore, #tpu.memory_space<semaphore_mem>>)
    } else {
    }
    %ge3A_88 = arith.constant 7812 : i32
    %ge3A_89 = arith.cmpi sge, %squeeze3A_82, %ge3A_88 : i32
    %convert_element_type3A_90 = arith.extui %ge3A_89 : i1 to i32
    %cond3A_91 = arith.constant 0 : i32
    %cond3A_92 = arith.cmpi ne, %convert_element_type3A_90, %cond3A_91 : i32
    scf.if %cond3A_92 {
      %dma_start3A_119 = arith.constant 6 : i32
      %dma_start3A_120 = arith.constant 0 : i32
      %dma_start3A_121 = arith.constant 0 : i32
      %dma_start3A_122 = tpu.memref_slice %arg8[%dma_start3A_119, %dma_start3A_120, %dma_start3A_121] : memref<8x64x128xf32, #tpu.memory_space<vmem>> -> memref<1x64x128xf32, #tpu.memory_space<vmem>>
      %dma_start3A_123 = tpu.memref_squeeze %dma_start3A_122 : memref<1x64x128xf32, #tpu.memory_space<vmem>> -> memref<64x128xf32, #tpu.memory_space<vmem>>
      %dma_start3A_124 = arith.constant 0 : i32
      %dma_start3A_125 = arith.constant 0 : i32
      %dma_start3A_126 = tpu.memref_slice %arg8[%dma_start3A_119, %dma_start3A_124, %dma_start3A_125] : memref<8x64x128xf32, #tpu.memory_space<vmem>> -> memref<1x64x128xf32, #tpu.memory_space<vmem>>
      %dma_start3A_127 = tpu.memref_squeeze %dma_start3A_126 : memref<1x64x128xf32, #tpu.memory_space<vmem>> -> memref<64x128xf32, #tpu.memory_space<vmem>>
      tpu.enqueue_dma source(%arg5 : memref<64x128xf32, #tpu.memory_space<hbm>>) target(%dma_start3A_127 : memref<64x128xf32, #tpu.memory_space<vmem>>) target_semaphore(%arg10 : memref<!tpu.dma_semaphore, #tpu.memory_space<semaphore_mem>>)
    } else {
    }
    %slice3A_93 = vector.extract_strided_slice %shift_right_logical3A_14 {offsets = [7], sizes = [1], strides = [1]} : vector<16xi32> to vector<1xi32>
    %squeeze3A_94 = vector.extract %slice3A_93[0] : i32 from vector<1xi32>
    %le3A_95 = arith.constant 7811 : i32
    %le3A_96 = arith.cmpi sle, %squeeze3A_94, %le3A_95 : i32
    %convert_element_type3A_97 = arith.extui %le3A_96 : i1 to i32
    %cond3A_98 = arith.constant 0 : i32
    %cond3A_99 = arith.cmpi ne, %convert_element_type3A_97, %cond3A_98 : i32
    scf.if %cond3A_99 {
      %mul3A_119 = arith.constant 128 : i32
      %mul3A_120 = arith.muli %squeeze3A_94, %mul3A_119 : i32
      %multiple_of3A = tpu.assume_multiple %mul3A_120, 128 : i32
      %dma_start3A_121 = arith.constant 7 : i32
      %dma_start3A_122 = arith.constant 0 : i32
      %dma_start3A_123 = arith.constant 0 : i32
      %dma_start3A_124 = tpu.memref_slice %arg8[%dma_start3A_121, %dma_start3A_122, %dma_start3A_123] : memref<8x64x128xf32, #tpu.memory_space<vmem>> -> memref<1x64x128xf32, #tpu.memory_space<vmem>>
      %dma_start3A_125 = tpu.memref_squeeze %dma_start3A_124 : memref<1x64x128xf32, #tpu.memory_space<vmem>> -> memref<64x128xf32, #tpu.memory_space<vmem>>
      %dma_start3A_126 = arith.constant 0 : i32
      %dma_start3A_127 = tpu.memref_slice %arg4[%dma_start3A_126, %multiple_of3A] : memref<64x1000001xf32, #tpu.memory_space<hbm>> -> memref<64x128xf32, #tpu.memory_space<hbm>>
      %dma_start3A_128 = arith.constant 0 : i32
      %dma_start3A_129 = arith.constant 0 : i32
      %dma_start3A_130 = tpu.memref_slice %arg8[%dma_start3A_121, %dma_start3A_128, %dma_start3A_129] : memref<8x64x128xf32, #tpu.memory_space<vmem>> -> memref<1x64x128xf32, #tpu.memory_space<vmem>>
      %dma_start3A_131 = tpu.memref_squeeze %dma_start3A_130 : memref<1x64x128xf32, #tpu.memory_space<vmem>> -> memref<64x128xf32, #tpu.memory_space<vmem>>
      %dma_start3A_132 = arith.constant 0 : i32
      %dma_start3A_133 = tpu.memref_slice %arg4[%dma_start3A_132, %multiple_of3A] : memref<64x1000001xf32, #tpu.memory_space<hbm>> -> memref<64x128xf32, #tpu.memory_space<hbm>>
      tpu.enqueue_dma source(%dma_start3A_133 : memref<64x128xf32, #tpu.memory_space<hbm>>) target(%dma_start3A_131 : memref<64x128xf32, #tpu.memory_space<vmem>>) target_semaphore(%arg10 : memref<!tpu.dma_semaphore, #tpu.memory_space<semaphore_mem>>)
    } else {
    }
    %ge3A_100 = arith.constant 7812 : i32
    %ge3A_101 = arith.cmpi sge, %squeeze3A_94, %ge3A_100 : i32
    %convert_element_type3A_102 = arith.extui %ge3A_101 : i1 to i32
    %cond3A_103 = arith.constant 0 : i32
    %cond3A_104 = arith.cmpi ne, %convert_element_type3A_102, %cond3A_103 : i32
    scf.if %cond3A_104 {
      %dma_start3A_119 = arith.constant 7 : i32
      %dma_start3A_120 = arith.constant 0 : i32
      %dma_start3A_121 = arith.constant 0 : i32
      %dma_start3A_122 = tpu.memref_slice %arg8[%dma_start3A_119, %dma_start3A_120, %dma_start3A_121] : memref<8x64x128xf32, #tpu.memory_space<vmem>> -> memref<1x64x128xf32, #tpu.memory_space<vmem>>
      %dma_start3A_123 = tpu.memref_squeeze %dma_start3A_122 : memref<1x64x128xf32, #tpu.memory_space<vmem>> -> memref<64x128xf32, #tpu.memory_space<vmem>>
      %dma_start3A_124 = arith.constant 0 : i32
      %dma_start3A_125 = arith.constant 0 : i32
      %dma_start3A_126 = tpu.memref_slice %arg8[%dma_start3A_119, %dma_start3A_124, %dma_start3A_125] : memref<8x64x128xf32, #tpu.memory_space<vmem>> -> memref<1x64x128xf32, #tpu.memory_space<vmem>>
      %dma_start3A_127 = tpu.memref_squeeze %dma_start3A_126 : memref<1x64x128xf32, #tpu.memory_space<vmem>> -> memref<64x128xf32, #tpu.memory_space<vmem>>
      tpu.enqueue_dma source(%arg5 : memref<64x128xf32, #tpu.memory_space<hbm>>) target(%dma_start3A_127 : memref<64x128xf32, #tpu.memory_space<vmem>>) target_semaphore(%arg10 : memref<!tpu.dma_semaphore, #tpu.memory_space<semaphore_mem>>)
    } else {
    }
    %scan3A = arith.constant 0 : i32
    %scan3A_105 = arith.constant 0 : i32
    %scan3A_106 = arith.constant 64 : i32
    %scan3A_107 = arith.addi %scan3A_105, %scan3A_106 : i32
    %scan3A_108 = arith.constant 1 : i32
    scf.for %scan3A_119 = %scan3A_105 to %scan3A_107 step %scan3A_108  : i32 {
      %mul3A_120 = arith.constant 8 : i32
      %mul3A_121 = arith.muli %scan3A_119, %mul3A_120 : i32
      %get3A_122 = arith.index_cast %mul3A_121 : i32 to index
      %get3A_123 = tpu.vector_load %arg7[%get3A_122] {strides = array<i32>} : memref<528xi32, #tpu.memory_space<vmem>>, vector<16xi32>,
      %shift_right_logical3A_124 = arith.constant 7 : i32
      %shift_right_logical3A_125 = vector.broadcast %shift_right_logical3A_124 : i32 to vector<16xi32>
      %shift_right_logical3A_126 = arith.shrui %get3A_123, %shift_right_logical3A_125 : vector<16xi32>
      %and3A = arith.constant 127 : i32
      %and3A_127 = vector.broadcast %and3A : i32 to vector<16xi32>
      %and3A_128 = arith.andi %get3A_123, %and3A_127 : vector<16xi32>
      %dma_wait3A_129 = arith.constant 0 : i32
      %dma_wait3A_130 = arith.constant 0 : i32
      %dma_wait3A_131 = arith.constant 0 : i32
      %dma_wait3A_132 = tpu.memref_slice %arg8[%dma_wait3A_129, %dma_wait3A_130, %dma_wait3A_131] : memref<8x64x128xf32, #tpu.memory_space<vmem>> -> memref<1x64x128xf32, #tpu.memory_space<vmem>>
      %dma_wait3A_133 = tpu.memref_squeeze %dma_wait3A_132 : memref<1x64x128xf32, #tpu.memory_space<vmem>> -> memref<64x128xf32, #tpu.memory_space<vmem>>
      %dma_wait3A_134 = arith.constant 0 : i32
      %dma_wait3A_135 = arith.constant 0 : i32
      %dma_wait3A_136 = tpu.memref_slice %arg8[%dma_wait3A_129, %dma_wait3A_134, %dma_wait3A_135] : memref<8x64x128xf32, #tpu.memory_space<vmem>> -> memref<1x64x128xf32, #tpu.memory_space<vmem>>
      %dma_wait3A_137 = tpu.memref_squeeze %dma_wait3A_136 : memref<1x64x128xf32, #tpu.memory_space<vmem>> -> memref<64x128xf32, #tpu.memory_space<vmem>>
      tpu.wait_dma2 semaphore(%arg10 : memref<!tpu.dma_semaphore, #tpu.memory_space<semaphore_mem>>) src(%arg5 : memref<64x128xf32, #tpu.memory_space<hbm>>) dst(%dma_wait3A_137 : memref<64x128xf32, #tpu.memory_space<vmem>>)
      %slice3A_138 = vector.extract_strided_slice %and3A_128 {offsets = [0], sizes = [1], strides = [1]} : vector<16xi32> to vector<1xi32>
      %squeeze3A_139 = vector.extract %slice3A_138[0] : i32 from vector<1xi32>
      %broadcast_in_dim3A = vector.broadcast %squeeze3A_139 : i32 to vector<16xi32>
      %add3A_140 = arith.constant 0 : i32
      %add3A_141 = arith.addi %mul3A_121, %add3A_140 : i32
      %broadcast_in_dim3A_142 = vector.broadcast %add3A_141 : i32 to vector<16xi32>
      %broadcast_in_dim3A_143 = arith.constant 0 : i32
      %broadcast_in_dim3A_144 = vector.broadcast %broadcast_in_dim3A_143 : i32 to vector<16xi32>
      %add3A_145 = arith.constant 0 : i32
      %add3A_146 = vector.broadcast %add3A_145 : i32 to vector<16xi32>
      %add3A_147 = arith.addi %iota3A, %add3A_146 : vector<16xi32>
      %gather3A = tpu.vector_load_idx %arg8[%broadcast_in_dim3A_144, %add3A_147, %broadcast_in_dim3A] : memref<8x64x128xf32, #tpu.memory_space<vmem>>[vector<16xi32>, vector<16xi32>, vector<16xi32>], vector<16xf32>,
      %add3A_148 = arith.constant 0 : i32
      %add3A_149 = vector.broadcast %add3A_148 : i32 to vector<16xi32>
      %add3A_150 = arith.addi %iota3A, %add3A_149 : vector<16xi32>
      tpu.vector_store_idx %arg9[%add3A_150, %broadcast_in_dim3A_142], %gather3A : memref<80x512xf32, #tpu.memory_space<vmem>>[vector<16xi32>, vector<16xi32>], vector<16xf32>,
      %broadcast_in_dim3A_151 = arith.constant 0 : i32
      %broadcast_in_dim3A_152 = vector.broadcast %broadcast_in_dim3A_151 : i32 to vector<16xi32>
      %add3A_153 = arith.constant 16 : i32
      %add3A_154 = vector.broadcast %add3A_153 : i32 to vector<16xi32>
      %add3A_155 = arith.addi %iota3A, %add3A_154 : vector<16xi32>
      %gather3A_156 = tpu.vector_load_idx %arg8[%broadcast_in_dim3A_152, %add3A_155, %broadcast_in_dim3A] : memref<8x64x128xf32, #tpu.memory_space<vmem>>[vector<16xi32>, vector<16xi32>, vector<16xi32>], vector<16xf32>,
      %add3A_157 = arith.constant 16 : i32
      %add3A_158 = vector.broadcast %add3A_157 : i32 to vector<16xi32>
      %add3A_159 = arith.addi %iota3A, %add3A_158 : vector<16xi32>
      tpu.vector_store_idx %arg9[%add3A_159, %broadcast_in_dim3A_142], %gather3A_156 : memref<80x512xf32, #tpu.memory_space<vmem>>[vector<16xi32>, vector<16xi32>], vector<16xf32>,
      %broadcast_in_dim3A_160 = arith.constant 0 : i32
      %broadcast_in_dim3A_161 = vector.broadcast %broadcast_in_dim3A_160 : i32 to vector<16xi32>
      %add3A_162 = arith.constant 32 : i32
      %add3A_163 = vector.broadcast %add3A_162 : i32 to vector<16xi32>
      %add3A_164 = arith.addi %iota3A, %add3A_163 : vector<16xi32>
      %gather3A_165 = tpu.vector_load_idx %arg8[%broadcast_in_dim3A_161, %add3A_164, %broadcast_in_dim3A] : memref<8x64x128xf32, #tpu.memory_space<vmem>>[vector<16xi32>, vector<16xi32>, vector<16xi32>], vector<16xf32>,
      %add3A_166 = arith.constant 32 : i32
      %add3A_167 = vector.broadcast %add3A_166 : i32 to vector<16xi32>
      %add3A_168 = arith.addi %iota3A, %add3A_167 : vector<16xi32>
      tpu.vector_store_idx %arg9[%add3A_168, %broadcast_in_dim3A_142], %gather3A_165 : memref<80x512xf32, #tpu.memory_space<vmem>>[vector<16xi32>, vector<16xi32>], vector<16xf32>,
      %broadcast_in_dim3A_169 = arith.constant 0 : i32
      %broadcast_in_dim3A_170 = vector.broadcast %broadcast_in_dim3A_169 : i32 to vector<16xi32>
      %add3A_171 = arith.constant 48 : i32
      %add3A_172 = vector.broadcast %add3A_171 : i32 to vector<16xi32>
      %add3A_173 = arith.addi %iota3A, %add3A_172 : vector<16xi32>
      %gather3A_174 = tpu.vector_load_idx %arg8[%broadcast_in_dim3A_170, %add3A_173, %broadcast_in_dim3A] : memref<8x64x128xf32, #tpu.memory_space<vmem>>[vector<16xi32>, vector<16xi32>, vector<16xi32>], vector<16xf32>,
      %add3A_175 = arith.constant 48 : i32
      %add3A_176 = vector.broadcast %add3A_175 : i32 to vector<16xi32>
      %add3A_177 = arith.addi %iota3A, %add3A_176 : vector<16xi32>
      tpu.vector_store_idx %arg9[%add3A_177, %broadcast_in_dim3A_142], %gather3A_174 : memref<80x512xf32, #tpu.memory_space<vmem>>[vector<16xi32>, vector<16xi32>], vector<16xf32>,
      %add3A_178 = arith.constant 8 : i32
      %add3A_179 = arith.addi %mul3A_121, %add3A_178 : i32
      %add3A_180 = arith.constant 0 : i32
      %add3A_181 = arith.addi %add3A_179, %add3A_180 : i32
      %lt3A = arith.constant 512 : i32
      %lt3A_182 = arith.cmpi slt, %add3A_181, %lt3A : i32
      %convert_element_type3A_183 = arith.extui %lt3A_182 : i1 to i32
      %cond3A_184 = arith.constant 0 : i32
      %cond3A_185 = arith.cmpi ne, %convert_element_type3A_183, %cond3A_184 : i32
      scf.if %cond3A_185 {
        %slice3A_606 = vector.extract_strided_slice %shift_right_logical3A_126 {offsets = [8], sizes = [1], strides = [1]} : vector<16xi32> to vector<1xi32>
        %squeeze3A_607 = vector.extract %slice3A_606[0] : i32 from vector<1xi32>
        %le3A_608 = arith.constant 7811 : i32
        %le3A_609 = arith.cmpi sle, %squeeze3A_607, %le3A_608 : i32
        %convert_element_type3A_610 = arith.extui %le3A_609 : i1 to i32
        %cond3A_611 = arith.constant 0 : i32
        %cond3A_612 = arith.cmpi ne, %convert_element_type3A_610, %cond3A_611 : i32
        scf.if %cond3A_612 {
          %mul3A_618 = arith.constant 128 : i32
          %mul3A_619 = arith.muli %squeeze3A_607, %mul3A_618 : i32
          %multiple_of3A = tpu.assume_multiple %mul3A_619, 128 : i32
          %dma_start3A_620 = arith.constant 0 : i32
          %dma_start3A_621 = arith.constant 0 : i32
          %dma_start3A_622 = arith.constant 0 : i32
          %dma_start3A_623 = tpu.memref_slice %arg8[%dma_start3A_620, %dma_start3A_621, %dma_start3A_622] : memref<8x64x128xf32, #tpu.memory_space<vmem>> -> memref<1x64x128xf32, #tpu.memory_space<vmem>>
          %dma_start3A_624 = tpu.memref_squeeze %dma_start3A_623 : memref<1x64x128xf32, #tpu.memory_space<vmem>> -> memref<64x128xf32, #tpu.memory_space<vmem>>
          %dma_start3A_625 = arith.constant 0 : i32
          %dma_start3A_626 = tpu.memref_slice %arg4[%dma_start3A_625, %multiple_of3A] : memref<64x1000001xf32, #tpu.memory_space<hbm>> -> memref<64x128xf32, #tpu.memory_space<hbm>>
          %dma_start3A_627 = arith.constant 0 : i32
          %dma_start3A_628 = arith.constant 0 : i32
          %dma_start3A_629 = tpu.memref_slice %arg8[%dma_start3A_620, %dma_start3A_627, %dma_start3A_628] : memref<8x64x128xf32, #tpu.memory_space<vmem>> -> memref<1x64x128xf32, #tpu.memory_space<vmem>>
          %dma_start3A_630 = tpu.memref_squeeze %dma_start3A_629 : memref<1x64x128xf32, #tpu.memory_space<vmem>> -> memref<64x128xf32, #tpu.memory_space<vmem>>
          %dma_start3A_631 = arith.constant 0 : i32
          %dma_start3A_632 = tpu.memref_slice %arg4[%dma_start3A_631, %multiple_of3A] : memref<64x1000001xf32, #tpu.memory_space<hbm>> -> memref<64x128xf32, #tpu.memory_space<hbm>>
          tpu.enqueue_dma source(%dma_start3A_632 : memref<64x128xf32, #tpu.memory_space<hbm>>) target(%dma_start3A_630 : memref<64x128xf32, #tpu.memory_space<vmem>>) target_semaphore(%arg10 : memref<!tpu.dma_semaphore, #tpu.memory_space<semaphore_mem>>)
        } else {
        }
        %ge3A_613 = arith.constant 7812 : i32
        %ge3A_614 = arith.cmpi sge, %squeeze3A_607, %ge3A_613 : i32
        %convert_element_type3A_615 = arith.extui %ge3A_614 : i1 to i32
        %cond3A_616 = arith.constant 0 : i32
        %cond3A_617 = arith.cmpi ne, %convert_element_type3A_615, %cond3A_616 : i32
        scf.if %cond3A_617 {
          %dma_start3A_618 = arith.constant 0 : i32
          %dma_start3A_619 = arith.constant 0 : i32
          %dma_start3A_620 = arith.constant 0 : i32
          %dma_start3A_621 = tpu.memref_slice %arg8[%dma_start3A_618, %dma_start3A_619, %dma_start3A_620] : memref<8x64x128xf32, #tpu.memory_space<vmem>> -> memref<1x64x128xf32, #tpu.memory_space<vmem>>
          %dma_start3A_622 = tpu.memref_squeeze %dma_start3A_621 : memref<1x64x128xf32, #tpu.memory_space<vmem>> -> memref<64x128xf32, #tpu.memory_space<vmem>>
          %dma_start3A_623 = arith.constant 0 : i32
          %dma_start3A_624 = arith.constant 0 : i32
          %dma_start3A_625 = tpu.memref_slice %arg8[%dma_start3A_618, %dma_start3A_623, %dma_start3A_624] : memref<8x64x128xf32, #tpu.memory_space<vmem>> -> memref<1x64x128xf32, #tpu.memory_space<vmem>>
          %dma_start3A_626 = tpu.memref_squeeze %dma_start3A_625 : memref<1x64x128xf32, #tpu.memory_space<vmem>> -> memref<64x128xf32, #tpu.memory_space<vmem>>
          tpu.enqueue_dma source(%arg5 : memref<64x128xf32, #tpu.memory_space<hbm>>) target(%dma_start3A_626 : memref<64x128xf32, #tpu.memory_space<vmem>>) target_semaphore(%arg10 : memref<!tpu.dma_semaphore, #tpu.memory_space<semaphore_mem>>)
        } else {
        }
      } else {
      }
      %dma_wait3A_186 = arith.constant 1 : i32
      %dma_wait3A_187 = arith.constant 0 : i32
      %dma_wait3A_188 = arith.constant 0 : i32
      %dma_wait3A_189 = tpu.memref_slice %arg8[%dma_wait3A_186, %dma_wait3A_187, %dma_wait3A_188] : memref<8x64x128xf32, #tpu.memory_space<vmem>> -> memref<1x64x128xf32, #tpu.memory_space<vmem>>
      %dma_wait3A_190 = tpu.memref_squeeze %dma_wait3A_189 : memref<1x64x128xf32, #tpu.memory_space<vmem>> -> memref<64x128xf32, #tpu.memory_space<vmem>>
      %dma_wait3A_191 = arith.constant 0 : i32
      %dma_wait3A_192 = arith.constant 0 : i32
      %dma_wait3A_193 = tpu.memref_slice %arg8[%dma_wait3A_186, %dma_wait3A_191, %dma_wait3A_192] : memref<8x64x128xf32, #tpu.memory_space<vmem>> -> memref<1x64x128xf32, #tpu.memory_space<vmem>>
      %dma_wait3A_194 = tpu.memref_squeeze %dma_wait3A_193 : memref<1x64x128xf32, #tpu.memory_space<vmem>> -> memref<64x128xf32, #tpu.memory_space<vmem>>
      tpu.wait_dma2 semaphore(%arg10 : memref<!tpu.dma_semaphore, #tpu.memory_space<semaphore_mem>>) src(%arg5 : memref<64x128xf32, #tpu.memory_space<hbm>>) dst(%dma_wait3A_194 : memref<64x128xf32, #tpu.memory_space<vmem>>)
      %slice3A_195 = vector.extract_strided_slice %and3A_128 {offsets = [1], sizes = [1], strides = [1]} : vector<16xi32> to vector<1xi32>
      %squeeze3A_196 = vector.extract %slice3A_195[0] : i32 from vector<1xi32>
      %broadcast_in_dim3A_197 = vector.broadcast %squeeze3A_196 : i32 to vector<16xi32>
      %add3A_198 = arith.constant 1 : i32
      %add3A_199 = arith.addi %mul3A_121, %add3A_198 : i32
      %broadcast_in_dim3A_200 = vector.broadcast %add3A_199 : i32 to vector<16xi32>
      %broadcast_in_dim3A_201 = arith.constant 1 : i32
      %broadcast_in_dim3A_202 = vector.broadcast %broadcast_in_dim3A_201 : i32 to vector<16xi32>
      %add3A_203 = arith.constant 0 : i32
      %add3A_204 = vector.broadcast %add3A_203 : i32 to vector<16xi32>
      %add3A_205 = arith.addi %iota3A, %add3A_204 : vector<16xi32>
      %gather3A_206 = tpu.vector_load_idx %arg8[%broadcast_in_dim3A_202, %add3A_205, %broadcast_in_dim3A_197] : memref<8x64x128xf32, #tpu.memory_space<vmem>>[vector<16xi32>, vector<16xi32>, vector<16xi32>], vector<16xf32>,
      %add3A_207 = arith.constant 0 : i32
      %add3A_208 = vector.broadcast %add3A_207 : i32 to vector<16xi32>
      %add3A_209 = arith.addi %iota3A, %add3A_208 : vector<16xi32>
      tpu.vector_store_idx %arg9[%add3A_209, %broadcast_in_dim3A_200], %gather3A_206 : memref<80x512xf32, #tpu.memory_space<vmem>>[vector<16xi32>, vector<16xi32>], vector<16xf32>,
      %broadcast_in_dim3A_210 = arith.constant 1 : i32
      %broadcast_in_dim3A_211 = vector.broadcast %broadcast_in_dim3A_210 : i32 to vector<16xi32>
      %add3A_212 = arith.constant 16 : i32
      %add3A_213 = vector.broadcast %add3A_212 : i32 to vector<16xi32>
      %add3A_214 = arith.addi %iota3A, %add3A_213 : vector<16xi32>
      %gather3A_215 = tpu.vector_load_idx %arg8[%broadcast_in_dim3A_211, %add3A_214, %broadcast_in_dim3A_197] : memref<8x64x128xf32, #tpu.memory_space<vmem>>[vector<16xi32>, vector<16xi32>, vector<16xi32>], vector<16xf32>,
      %add3A_216 = arith.constant 16 : i32
      %add3A_217 = vector.broadcast %add3A_216 : i32 to vector<16xi32>
      %add3A_218 = arith.addi %iota3A, %add3A_217 : vector<16xi32>
      tpu.vector_store_idx %arg9[%add3A_218, %broadcast_in_dim3A_200], %gather3A_215 : memref<80x512xf32, #tpu.memory_space<vmem>>[vector<16xi32>, vector<16xi32>], vector<16xf32>,
      %broadcast_in_dim3A_219 = arith.constant 1 : i32
      %broadcast_in_dim3A_220 = vector.broadcast %broadcast_in_dim3A_219 : i32 to vector<16xi32>
      %add3A_221 = arith.constant 32 : i32
      %add3A_222 = vector.broadcast %add3A_221 : i32 to vector<16xi32>
      %add3A_223 = arith.addi %iota3A, %add3A_222 : vector<16xi32>
      %gather3A_224 = tpu.vector_load_idx %arg8[%broadcast_in_dim3A_220, %add3A_223, %broadcast_in_dim3A_197] : memref<8x64x128xf32, #tpu.memory_space<vmem>>[vector<16xi32>, vector<16xi32>, vector<16xi32>], vector<16xf32>,
      %add3A_225 = arith.constant 32 : i32
      %add3A_226 = vector.broadcast %add3A_225 : i32 to vector<16xi32>
      %add3A_227 = arith.addi %iota3A, %add3A_226 : vector<16xi32>
      tpu.vector_store_idx %arg9[%add3A_227, %broadcast_in_dim3A_200], %gather3A_224 : memref<80x512xf32, #tpu.memory_space<vmem>>[vector<16xi32>, vector<16xi32>], vector<16xf32>,
      %broadcast_in_dim3A_228 = arith.constant 1 : i32
      %broadcast_in_dim3A_229 = vector.broadcast %broadcast_in_dim3A_228 : i32 to vector<16xi32>
      %add3A_230 = arith.constant 48 : i32
      %add3A_231 = vector.broadcast %add3A_230 : i32 to vector<16xi32>
      %add3A_232 = arith.addi %iota3A, %add3A_231 : vector<16xi32>
      %gather3A_233 = tpu.vector_load_idx %arg8[%broadcast_in_dim3A_229, %add3A_232, %broadcast_in_dim3A_197] : memref<8x64x128xf32, #tpu.memory_space<vmem>>[vector<16xi32>, vector<16xi32>, vector<16xi32>], vector<16xf32>,
      %add3A_234 = arith.constant 48 : i32
      %add3A_235 = vector.broadcast %add3A_234 : i32 to vector<16xi32>
      %add3A_236 = arith.addi %iota3A, %add3A_235 : vector<16xi32>
      tpu.vector_store_idx %arg9[%add3A_236, %broadcast_in_dim3A_200], %gather3A_233 : memref<80x512xf32, #tpu.memory_space<vmem>>[vector<16xi32>, vector<16xi32>], vector<16xf32>,
      %add3A_237 = arith.constant 8 : i32
      %add3A_238 = arith.addi %mul3A_121, %add3A_237 : i32
      %add3A_239 = arith.constant 1 : i32
      %add3A_240 = arith.addi %add3A_238, %add3A_239 : i32
      %lt3A_241 = arith.constant 512 : i32
      %lt3A_242 = arith.cmpi slt, %add3A_240, %lt3A_241 : i32
      %convert_element_type3A_243 = arith.extui %lt3A_242 : i1 to i32
      %cond3A_244 = arith.constant 0 : i32
      %cond3A_245 = arith.cmpi ne, %convert_element_type3A_243, %cond3A_244 : i32
      scf.if %cond3A_245 {
        %slice3A_606 = vector.extract_strided_slice %shift_right_logical3A_126 {offsets = [9], sizes = [1], strides = [1]} : vector<16xi32> to vector<1xi32>
        %squeeze3A_607 = vector.extract %slice3A_606[0] : i32 from vector<1xi32>
        %le3A_608 = arith.constant 7811 : i32
        %le3A_609 = arith.cmpi sle, %squeeze3A_607, %le3A_608 : i32
        %convert_element_type3A_610 = arith.extui %le3A_609 : i1 to i32
        %cond3A_611 = arith.constant 0 : i32
        %cond3A_612 = arith.cmpi ne, %convert_element_type3A_610, %cond3A_611 : i32
        scf.if %cond3A_612 {
          %mul3A_618 = arith.constant 128 : i32
          %mul3A_619 = arith.muli %squeeze3A_607, %mul3A_618 : i32
          %multiple_of3A = tpu.assume_multiple %mul3A_619, 128 : i32
          %dma_start3A_620 = arith.constant 1 : i32
          %dma_start3A_621 = arith.constant 0 : i32
          %dma_start3A_622 = arith.constant 0 : i32
          %dma_start3A_623 = tpu.memref_slice %arg8[%dma_start3A_620, %dma_start3A_621, %dma_start3A_622] : memref<8x64x128xf32, #tpu.memory_space<vmem>> -> memref<1x64x128xf32, #tpu.memory_space<vmem>>
          %dma_start3A_624 = tpu.memref_squeeze %dma_start3A_623 : memref<1x64x128xf32, #tpu.memory_space<vmem>> -> memref<64x128xf32, #tpu.memory_space<vmem>>
          %dma_start3A_625 = arith.constant 0 : i32
          %dma_start3A_626 = tpu.memref_slice %arg4[%dma_start3A_625, %multiple_of3A] : memref<64x1000001xf32, #tpu.memory_space<hbm>> -> memref<64x128xf32, #tpu.memory_space<hbm>>
          %dma_start3A_627 = arith.constant 0 : i32
          %dma_start3A_628 = arith.constant 0 : i32
          %dma_start3A_629 = tpu.memref_slice %arg8[%dma_start3A_620, %dma_start3A_627, %dma_start3A_628] : memref<8x64x128xf32, #tpu.memory_space<vmem>> -> memref<1x64x128xf32, #tpu.memory_space<vmem>>
          %dma_start3A_630 = tpu.memref_squeeze %dma_start3A_629 : memref<1x64x128xf32, #tpu.memory_space<vmem>> -> memref<64x128xf32, #tpu.memory_space<vmem>>
          %dma_start3A_631 = arith.constant 0 : i32
          %dma_start3A_632 = tpu.memref_slice %arg4[%dma_start3A_631, %multiple_of3A] : memref<64x1000001xf32, #tpu.memory_space<hbm>> -> memref<64x128xf32, #tpu.memory_space<hbm>>
          tpu.enqueue_dma source(%dma_start3A_632 : memref<64x128xf32, #tpu.memory_space<hbm>>) target(%dma_start3A_630 : memref<64x128xf32, #tpu.memory_space<vmem>>) target_semaphore(%arg10 : memref<!tpu.dma_semaphore, #tpu.memory_space<semaphore_mem>>)
        } else {
        }
        %ge3A_613 = arith.constant 7812 : i32
        %ge3A_614 = arith.cmpi sge, %squeeze3A_607, %ge3A_613 : i32
        %convert_element_type3A_615 = arith.extui %ge3A_614 : i1 to i32
        %cond3A_616 = arith.constant 0 : i32
        %cond3A_617 = arith.cmpi ne, %convert_element_type3A_615, %cond3A_616 : i32
        scf.if %cond3A_617 {
          %dma_start3A_618 = arith.constant 1 : i32
          %dma_start3A_619 = arith.constant 0 : i32
          %dma_start3A_620 = arith.constant 0 : i32
          %dma_start3A_621 = tpu.memref_slice %arg8[%dma_start3A_618, %dma_start3A_619, %dma_start3A_620] : memref<8x64x128xf32, #tpu.memory_space<vmem>> -> memref<1x64x128xf32, #tpu.memory_space<vmem>>
          %dma_start3A_622 = tpu.memref_squeeze %dma_start3A_621 : memref<1x64x128xf32, #tpu.memory_space<vmem>> -> memref<64x128xf32, #tpu.memory_space<vmem>>
          %dma_start3A_623 = arith.constant 0 : i32
          %dma_start3A_624 = arith.constant 0 : i32
          %dma_start3A_625 = tpu.memref_slice %arg8[%dma_start3A_618, %dma_start3A_623, %dma_start3A_624] : memref<8x64x128xf32, #tpu.memory_space<vmem>> -> memref<1x64x128xf32, #tpu.memory_space<vmem>>
          %dma_start3A_626 = tpu.memref_squeeze %dma_start3A_625 : memref<1x64x128xf32, #tpu.memory_space<vmem>> -> memref<64x128xf32, #tpu.memory_space<vmem>>
          tpu.enqueue_dma source(%arg5 : memref<64x128xf32, #tpu.memory_space<hbm>>) target(%dma_start3A_626 : memref<64x128xf32, #tpu.memory_space<vmem>>) target_semaphore(%arg10 : memref<!tpu.dma_semaphore, #tpu.memory_space<semaphore_mem>>)
        } else {
        }
      } else {
      }
      %dma_wait3A_246 = arith.constant 2 : i32
      %dma_wait3A_247 = arith.constant 0 : i32
      %dma_wait3A_248 = arith.constant 0 : i32
      %dma_wait3A_249 = tpu.memref_slice %arg8[%dma_wait3A_246, %dma_wait3A_247, %dma_wait3A_248] : memref<8x64x128xf32, #tpu.memory_space<vmem>> -> memref<1x64x128xf32, #tpu.memory_space<vmem>>
      %dma_wait3A_250 = tpu.memref_squeeze %dma_wait3A_249 : memref<1x64x128xf32, #tpu.memory_space<vmem>> -> memref<64x128xf32, #tpu.memory_space<vmem>>
      %dma_wait3A_251 = arith.constant 0 : i32
      %dma_wait3A_252 = arith.constant 0 : i32
      %dma_wait3A_253 = tpu.memref_slice %arg8[%dma_wait3A_246, %dma_wait3A_251, %dma_wait3A_252] : memref<8x64x128xf32, #tpu.memory_space<vmem>> -> memref<1x64x128xf32, #tpu.memory_space<vmem>>
      %dma_wait3A_254 = tpu.memref_squeeze %dma_wait3A_253 : memref<1x64x128xf32, #tpu.memory_space<vmem>> -> memref<64x128xf32, #tpu.memory_space<vmem>>
      tpu.wait_dma2 semaphore(%arg10 : memref<!tpu.dma_semaphore, #tpu.memory_space<semaphore_mem>>) src(%arg5 : memref<64x128xf32, #tpu.memory_space<hbm>>) dst(%dma_wait3A_254 : memref<64x128xf32, #tpu.memory_space<vmem>>)
      %slice3A_255 = vector.extract_strided_slice %and3A_128 {offsets = [2], sizes = [1], strides = [1]} : vector<16xi32> to vector<1xi32>
      %squeeze3A_256 = vector.extract %slice3A_255[0] : i32 from vector<1xi32>
      %broadcast_in_dim3A_257 = vector.broadcast %squeeze3A_256 : i32 to vector<16xi32>
      %add3A_258 = arith.constant 2 : i32
      %add3A_259 = arith.addi %mul3A_121, %add3A_258 : i32
      %broadcast_in_dim3A_260 = vector.broadcast %add3A_259 : i32 to vector<16xi32>
      %broadcast_in_dim3A_261 = arith.constant 2 : i32
      %broadcast_in_dim3A_262 = vector.broadcast %broadcast_in_dim3A_261 : i32 to vector<16xi32>
      %add3A_263 = arith.constant 0 : i32
      %add3A_264 = vector.broadcast %add3A_263 : i32 to vector<16xi32>
      %add3A_265 = arith.addi %iota3A, %add3A_264 : vector<16xi32>
      %gather3A_266 = tpu.vector_load_idx %arg8[%broadcast_in_dim3A_262, %add3A_265, %broadcast_in_dim3A_257] : memref<8x64x128xf32, #tpu.memory_space<vmem>>[vector<16xi32>, vector<16xi32>, vector<16xi32>], vector<16xf32>,
      %add3A_267 = arith.constant 0 : i32
      %add3A_268 = vector.broadcast %add3A_267 : i32 to vector<16xi32>
      %add3A_269 = arith.addi %iota3A, %add3A_268 : vector<16xi32>
      tpu.vector_store_idx %arg9[%add3A_269, %broadcast_in_dim3A_260], %gather3A_266 : memref<80x512xf32, #tpu.memory_space<vmem>>[vector<16xi32>, vector<16xi32>], vector<16xf32>,
      %broadcast_in_dim3A_270 = arith.constant 2 : i32
      %broadcast_in_dim3A_271 = vector.broadcast %broadcast_in_dim3A_270 : i32 to vector<16xi32>
      %add3A_272 = arith.constant 16 : i32
      %add3A_273 = vector.broadcast %add3A_272 : i32 to vector<16xi32>
      %add3A_274 = arith.addi %iota3A, %add3A_273 : vector<16xi32>
      %gather3A_275 = tpu.vector_load_idx %arg8[%broadcast_in_dim3A_271, %add3A_274, %broadcast_in_dim3A_257] : memref<8x64x128xf32, #tpu.memory_space<vmem>>[vector<16xi32>, vector<16xi32>, vector<16xi32>], vector<16xf32>,
      %add3A_276 = arith.constant 16 : i32
      %add3A_277 = vector.broadcast %add3A_276 : i32 to vector<16xi32>
      %add3A_278 = arith.addi %iota3A, %add3A_277 : vector<16xi32>
      tpu.vector_store_idx %arg9[%add3A_278, %broadcast_in_dim3A_260], %gather3A_275 : memref<80x512xf32, #tpu.memory_space<vmem>>[vector<16xi32>, vector<16xi32>], vector<16xf32>,
      %broadcast_in_dim3A_279 = arith.constant 2 : i32
      %broadcast_in_dim3A_280 = vector.broadcast %broadcast_in_dim3A_279 : i32 to vector<16xi32>
      %add3A_281 = arith.constant 32 : i32
      %add3A_282 = vector.broadcast %add3A_281 : i32 to vector<16xi32>
      %add3A_283 = arith.addi %iota3A, %add3A_282 : vector<16xi32>
      %gather3A_284 = tpu.vector_load_idx %arg8[%broadcast_in_dim3A_280, %add3A_283, %broadcast_in_dim3A_257] : memref<8x64x128xf32, #tpu.memory_space<vmem>>[vector<16xi32>, vector<16xi32>, vector<16xi32>], vector<16xf32>,
      %add3A_285 = arith.constant 32 : i32
      %add3A_286 = vector.broadcast %add3A_285 : i32 to vector<16xi32>
      %add3A_287 = arith.addi %iota3A, %add3A_286 : vector<16xi32>
      tpu.vector_store_idx %arg9[%add3A_287, %broadcast_in_dim3A_260], %gather3A_284 : memref<80x512xf32, #tpu.memory_space<vmem>>[vector<16xi32>, vector<16xi32>], vector<16xf32>,
      %broadcast_in_dim3A_288 = arith.constant 2 : i32
      %broadcast_in_dim3A_289 = vector.broadcast %broadcast_in_dim3A_288 : i32 to vector<16xi32>
      %add3A_290 = arith.constant 48 : i32
      %add3A_291 = vector.broadcast %add3A_290 : i32 to vector<16xi32>
      %add3A_292 = arith.addi %iota3A, %add3A_291 : vector<16xi32>
      %gather3A_293 = tpu.vector_load_idx %arg8[%broadcast_in_dim3A_289, %add3A_292, %broadcast_in_dim3A_257] : memref<8x64x128xf32, #tpu.memory_space<vmem>>[vector<16xi32>, vector<16xi32>, vector<16xi32>], vector<16xf32>,
      %add3A_294 = arith.constant 48 : i32
      %add3A_295 = vector.broadcast %add3A_294 : i32 to vector<16xi32>
      %add3A_296 = arith.addi %iota3A, %add3A_295 : vector<16xi32>
      tpu.vector_store_idx %arg9[%add3A_296, %broadcast_in_dim3A_260], %gather3A_293 : memref<80x512xf32, #tpu.memory_space<vmem>>[vector<16xi32>, vector<16xi32>], vector<16xf32>,
      %add3A_297 = arith.constant 8 : i32
      %add3A_298 = arith.addi %mul3A_121, %add3A_297 : i32
      %add3A_299 = arith.constant 2 : i32
      %add3A_300 = arith.addi %add3A_298, %add3A_299 : i32
      %lt3A_301 = arith.constant 512 : i32
      %lt3A_302 = arith.cmpi slt, %add3A_300, %lt3A_301 : i32
      %convert_element_type3A_303 = arith.extui %lt3A_302 : i1 to i32
      %cond3A_304 = arith.constant 0 : i32
      %cond3A_305 = arith.cmpi ne, %convert_element_type3A_303, %cond3A_304 : i32
      scf.if %cond3A_305 {
        %slice3A_606 = vector.extract_strided_slice %shift_right_logical3A_126 {offsets = [10], sizes = [1], strides = [1]} : vector<16xi32> to vector<1xi32>
        %squeeze3A_607 = vector.extract %slice3A_606[0] : i32 from vector<1xi32>
        %le3A_608 = arith.constant 7811 : i32
        %le3A_609 = arith.cmpi sle, %squeeze3A_607, %le3A_608 : i32
        %convert_element_type3A_610 = arith.extui %le3A_609 : i1 to i32
        %cond3A_611 = arith.constant 0 : i32
        %cond3A_612 = arith.cmpi ne, %convert_element_type3A_610, %cond3A_611 : i32
        scf.if %cond3A_612 {
          %mul3A_618 = arith.constant 128 : i32
          %mul3A_619 = arith.muli %squeeze3A_607, %mul3A_618 : i32
          %multiple_of3A = tpu.assume_multiple %mul3A_619, 128 : i32
          %dma_start3A_620 = arith.constant 2 : i32
          %dma_start3A_621 = arith.constant 0 : i32
          %dma_start3A_622 = arith.constant 0 : i32
          %dma_start3A_623 = tpu.memref_slice %arg8[%dma_start3A_620, %dma_start3A_621, %dma_start3A_622] : memref<8x64x128xf32, #tpu.memory_space<vmem>> -> memref<1x64x128xf32, #tpu.memory_space<vmem>>
          %dma_start3A_624 = tpu.memref_squeeze %dma_start3A_623 : memref<1x64x128xf32, #tpu.memory_space<vmem>> -> memref<64x128xf32, #tpu.memory_space<vmem>>
          %dma_start3A_625 = arith.constant 0 : i32
          %dma_start3A_626 = tpu.memref_slice %arg4[%dma_start3A_625, %multiple_of3A] : memref<64x1000001xf32, #tpu.memory_space<hbm>> -> memref<64x128xf32, #tpu.memory_space<hbm>>
          %dma_start3A_627 = arith.constant 0 : i32
          %dma_start3A_628 = arith.constant 0 : i32
          %dma_start3A_629 = tpu.memref_slice %arg8[%dma_start3A_620, %dma_start3A_627, %dma_start3A_628] : memref<8x64x128xf32, #tpu.memory_space<vmem>> -> memref<1x64x128xf32, #tpu.memory_space<vmem>>
          %dma_start3A_630 = tpu.memref_squeeze %dma_start3A_629 : memref<1x64x128xf32, #tpu.memory_space<vmem>> -> memref<64x128xf32, #tpu.memory_space<vmem>>
          %dma_start3A_631 = arith.constant 0 : i32
          %dma_start3A_632 = tpu.memref_slice %arg4[%dma_start3A_631, %multiple_of3A] : memref<64x1000001xf32, #tpu.memory_space<hbm>> -> memref<64x128xf32, #tpu.memory_space<hbm>>
          tpu.enqueue_dma source(%dma_start3A_632 : memref<64x128xf32, #tpu.memory_space<hbm>>) target(%dma_start3A_630 : memref<64x128xf32, #tpu.memory_space<vmem>>) target_semaphore(%arg10 : memref<!tpu.dma_semaphore, #tpu.memory_space<semaphore_mem>>)
        } else {
        }
        %ge3A_613 = arith.constant 7812 : i32
        %ge3A_614 = arith.cmpi sge, %squeeze3A_607, %ge3A_613 : i32
        %convert_element_type3A_615 = arith.extui %ge3A_614 : i1 to i32
        %cond3A_616 = arith.constant 0 : i32
        %cond3A_617 = arith.cmpi ne, %convert_element_type3A_615, %cond3A_616 : i32
        scf.if %cond3A_617 {
          %dma_start3A_618 = arith.constant 2 : i32
          %dma_start3A_619 = arith.constant 0 : i32
          %dma_start3A_620 = arith.constant 0 : i32
          %dma_start3A_621 = tpu.memref_slice %arg8[%dma_start3A_618, %dma_start3A_619, %dma_start3A_620] : memref<8x64x128xf32, #tpu.memory_space<vmem>> -> memref<1x64x128xf32, #tpu.memory_space<vmem>>
          %dma_start3A_622 = tpu.memref_squeeze %dma_start3A_621 : memref<1x64x128xf32, #tpu.memory_space<vmem>> -> memref<64x128xf32, #tpu.memory_space<vmem>>
          %dma_start3A_623 = arith.constant 0 : i32
          %dma_start3A_624 = arith.constant 0 : i32
          %dma_start3A_625 = tpu.memref_slice %arg8[%dma_start3A_618, %dma_start3A_623, %dma_start3A_624] : memref<8x64x128xf32, #tpu.memory_space<vmem>> -> memref<1x64x128xf32, #tpu.memory_space<vmem>>
          %dma_start3A_626 = tpu.memref_squeeze %dma_start3A_625 : memref<1x64x128xf32, #tpu.memory_space<vmem>> -> memref<64x128xf32, #tpu.memory_space<vmem>>
          tpu.enqueue_dma source(%arg5 : memref<64x128xf32, #tpu.memory_space<hbm>>) target(%dma_start3A_626 : memref<64x128xf32, #tpu.memory_space<vmem>>) target_semaphore(%arg10 : memref<!tpu.dma_semaphore, #tpu.memory_space<semaphore_mem>>)
        } else {
        }
      } else {
      }
      %dma_wait3A_306 = arith.constant 3 : i32
      %dma_wait3A_307 = arith.constant 0 : i32
      %dma_wait3A_308 = arith.constant 0 : i32
      %dma_wait3A_309 = tpu.memref_slice %arg8[%dma_wait3A_306, %dma_wait3A_307, %dma_wait3A_308] : memref<8x64x128xf32, #tpu.memory_space<vmem>> -> memref<1x64x128xf32, #tpu.memory_space<vmem>>
      %dma_wait3A_310 = tpu.memref_squeeze %dma_wait3A_309 : memref<1x64x128xf32, #tpu.memory_space<vmem>> -> memref<64x128xf32, #tpu.memory_space<vmem>>
      %dma_wait3A_311 = arith.constant 0 : i32
      %dma_wait3A_312 = arith.constant 0 : i32
      %dma_wait3A_313 = tpu.memref_slice %arg8[%dma_wait3A_306, %dma_wait3A_311, %dma_wait3A_312] : memref<8x64x128xf32, #tpu.memory_space<vmem>> -> memref<1x64x128xf32, #tpu.memory_space<vmem>>
      %dma_wait3A_314 = tpu.memref_squeeze %dma_wait3A_313 : memref<1x64x128xf32, #tpu.memory_space<vmem>> -> memref<64x128xf32, #tpu.memory_space<vmem>>
      tpu.wait_dma2 semaphore(%arg10 : memref<!tpu.dma_semaphore, #tpu.memory_space<semaphore_mem>>) src(%arg5 : memref<64x128xf32, #tpu.memory_space<hbm>>) dst(%dma_wait3A_314 : memref<64x128xf32, #tpu.memory_space<vmem>>)
      %slice3A_315 = vector.extract_strided_slice %and3A_128 {offsets = [3], sizes = [1], strides = [1]} : vector<16xi32> to vector<1xi32>
      %squeeze3A_316 = vector.extract %slice3A_315[0] : i32 from vector<1xi32>
      %broadcast_in_dim3A_317 = vector.broadcast %squeeze3A_316 : i32 to vector<16xi32>
      %add3A_318 = arith.constant 3 : i32
      %add3A_319 = arith.addi %mul3A_121, %add3A_318 : i32
      %broadcast_in_dim3A_320 = vector.broadcast %add3A_319 : i32 to vector<16xi32>
      %broadcast_in_dim3A_321 = arith.constant 3 : i32
      %broadcast_in_dim3A_322 = vector.broadcast %broadcast_in_dim3A_321 : i32 to vector<16xi32>
      %add3A_323 = arith.constant 0 : i32
      %add3A_324 = vector.broadcast %add3A_323 : i32 to vector<16xi32>
      %add3A_325 = arith.addi %iota3A, %add3A_324 : vector<16xi32>
      %gather3A_326 = tpu.vector_load_idx %arg8[%broadcast_in_dim3A_322, %add3A_325, %broadcast_in_dim3A_317] : memref<8x64x128xf32, #tpu.memory_space<vmem>>[vector<16xi32>, vector<16xi32>, vector<16xi32>], vector<16xf32>,
      %add3A_327 = arith.constant 0 : i32
      %add3A_328 = vector.broadcast %add3A_327 : i32 to vector<16xi32>
      %add3A_329 = arith.addi %iota3A, %add3A_328 : vector<16xi32>
      tpu.vector_store_idx %arg9[%add3A_329, %broadcast_in_dim3A_320], %gather3A_326 : memref<80x512xf32, #tpu.memory_space<vmem>>[vector<16xi32>, vector<16xi32>], vector<16xf32>,
      %broadcast_in_dim3A_330 = arith.constant 3 : i32
      %broadcast_in_dim3A_331 = vector.broadcast %broadcast_in_dim3A_330 : i32 to vector<16xi32>
      %add3A_332 = arith.constant 16 : i32
      %add3A_333 = vector.broadcast %add3A_332 : i32 to vector<16xi32>
      %add3A_334 = arith.addi %iota3A, %add3A_333 : vector<16xi32>
      %gather3A_335 = tpu.vector_load_idx %arg8[%broadcast_in_dim3A_331, %add3A_334, %broadcast_in_dim3A_317] : memref<8x64x128xf32, #tpu.memory_space<vmem>>[vector<16xi32>, vector<16xi32>, vector<16xi32>], vector<16xf32>,
      %add3A_336 = arith.constant 16 : i32
      %add3A_337 = vector.broadcast %add3A_336 : i32 to vector<16xi32>
      %add3A_338 = arith.addi %iota3A, %add3A_337 : vector<16xi32>
      tpu.vector_store_idx %arg9[%add3A_338, %broadcast_in_dim3A_320], %gather3A_335 : memref<80x512xf32, #tpu.memory_space<vmem>>[vector<16xi32>, vector<16xi32>], vector<16xf32>,
      %broadcast_in_dim3A_339 = arith.constant 3 : i32
      %broadcast_in_dim3A_340 = vector.broadcast %broadcast_in_dim3A_339 : i32 to vector<16xi32>
      %add3A_341 = arith.constant 32 : i32
      %add3A_342 = vector.broadcast %add3A_341 : i32 to vector<16xi32>
      %add3A_343 = arith.addi %iota3A, %add3A_342 : vector<16xi32>
      %gather3A_344 = tpu.vector_load_idx %arg8[%broadcast_in_dim3A_340, %add3A_343, %broadcast_in_dim3A_317] : memref<8x64x128xf32, #tpu.memory_space<vmem>>[vector<16xi32>, vector<16xi32>, vector<16xi32>], vector<16xf32>,
      %add3A_345 = arith.constant 32 : i32
      %add3A_346 = vector.broadcast %add3A_345 : i32 to vector<16xi32>
      %add3A_347 = arith.addi %iota3A, %add3A_346 : vector<16xi32>
      tpu.vector_store_idx %arg9[%add3A_347, %broadcast_in_dim3A_320], %gather3A_344 : memref<80x512xf32, #tpu.memory_space<vmem>>[vector<16xi32>, vector<16xi32>], vector<16xf32>,
      %broadcast_in_dim3A_348 = arith.constant 3 : i32
      %broadcast_in_dim3A_349 = vector.broadcast %broadcast_in_dim3A_348 : i32 to vector<16xi32>
      %add3A_350 = arith.constant 48 : i32
      %add3A_351 = vector.broadcast %add3A_350 : i32 to vector<16xi32>
      %add3A_352 = arith.addi %iota3A, %add3A_351 : vector<16xi32>
      %gather3A_353 = tpu.vector_load_idx %arg8[%broadcast_in_dim3A_349, %add3A_352, %broadcast_in_dim3A_317] : memref<8x64x128xf32, #tpu.memory_space<vmem>>[vector<16xi32>, vector<16xi32>, vector<16xi32>], vector<16xf32>,
      %add3A_354 = arith.constant 48 : i32
      %add3A_355 = vector.broadcast %add3A_354 : i32 to vector<16xi32>
      %add3A_356 = arith.addi %iota3A, %add3A_355 : vector<16xi32>
      tpu.vector_store_idx %arg9[%add3A_356, %broadcast_in_dim3A_320], %gather3A_353 : memref<80x512xf32, #tpu.memory_space<vmem>>[vector<16xi32>, vector<16xi32>], vector<16xf32>,
      %add3A_357 = arith.constant 8 : i32
      %add3A_358 = arith.addi %mul3A_121, %add3A_357 : i32
      %add3A_359 = arith.constant 3 : i32
      %add3A_360 = arith.addi %add3A_358, %add3A_359 : i32
      %lt3A_361 = arith.constant 512 : i32
      %lt3A_362 = arith.cmpi slt, %add3A_360, %lt3A_361 : i32
      %convert_element_type3A_363 = arith.extui %lt3A_362 : i1 to i32
      %cond3A_364 = arith.constant 0 : i32
      %cond3A_365 = arith.cmpi ne, %convert_element_type3A_363, %cond3A_364 : i32
      scf.if %cond3A_365 {
        %slice3A_606 = vector.extract_strided_slice %shift_right_logical3A_126 {offsets = [11], sizes = [1], strides = [1]} : vector<16xi32> to vector<1xi32>
        %squeeze3A_607 = vector.extract %slice3A_606[0] : i32 from vector<1xi32>
        %le3A_608 = arith.constant 7811 : i32
        %le3A_609 = arith.cmpi sle, %squeeze3A_607, %le3A_608 : i32
        %convert_element_type3A_610 = arith.extui %le3A_609 : i1 to i32
        %cond3A_611 = arith.constant 0 : i32
        %cond3A_612 = arith.cmpi ne, %convert_element_type3A_610, %cond3A_611 : i32
        scf.if %cond3A_612 {
          %mul3A_618 = arith.constant 128 : i32
          %mul3A_619 = arith.muli %squeeze3A_607, %mul3A_618 : i32
          %multiple_of3A = tpu.assume_multiple %mul3A_619, 128 : i32
          %dma_start3A_620 = arith.constant 3 : i32
          %dma_start3A_621 = arith.constant 0 : i32
          %dma_start3A_622 = arith.constant 0 : i32
          %dma_start3A_623 = tpu.memref_slice %arg8[%dma_start3A_620, %dma_start3A_621, %dma_start3A_622] : memref<8x64x128xf32, #tpu.memory_space<vmem>> -> memref<1x64x128xf32, #tpu.memory_space<vmem>>
          %dma_start3A_624 = tpu.memref_squeeze %dma_start3A_623 : memref<1x64x128xf32, #tpu.memory_space<vmem>> -> memref<64x128xf32, #tpu.memory_space<vmem>>
          %dma_start3A_625 = arith.constant 0 : i32
          %dma_start3A_626 = tpu.memref_slice %arg4[%dma_start3A_625, %multiple_of3A] : memref<64x1000001xf32, #tpu.memory_space<hbm>> -> memref<64x128xf32, #tpu.memory_space<hbm>>
          %dma_start3A_627 = arith.constant 0 : i32
          %dma_start3A_628 = arith.constant 0 : i32
          %dma_start3A_629 = tpu.memref_slice %arg8[%dma_start3A_620, %dma_start3A_627, %dma_start3A_628] : memref<8x64x128xf32, #tpu.memory_space<vmem>> -> memref<1x64x128xf32, #tpu.memory_space<vmem>>
          %dma_start3A_630 = tpu.memref_squeeze %dma_start3A_629 : memref<1x64x128xf32, #tpu.memory_space<vmem>> -> memref<64x128xf32, #tpu.memory_space<vmem>>
          %dma_start3A_631 = arith.constant 0 : i32
          %dma_start3A_632 = tpu.memref_slice %arg4[%dma_start3A_631, %multiple_of3A] : memref<64x1000001xf32, #tpu.memory_space<hbm>> -> memref<64x128xf32, #tpu.memory_space<hbm>>
          tpu.enqueue_dma source(%dma_start3A_632 : memref<64x128xf32, #tpu.memory_space<hbm>>) target(%dma_start3A_630 : memref<64x128xf32, #tpu.memory_space<vmem>>) target_semaphore(%arg10 : memref<!tpu.dma_semaphore, #tpu.memory_space<semaphore_mem>>)
        } else {
        }
        %ge3A_613 = arith.constant 7812 : i32
        %ge3A_614 = arith.cmpi sge, %squeeze3A_607, %ge3A_613 : i32
        %convert_element_type3A_615 = arith.extui %ge3A_614 : i1 to i32
        %cond3A_616 = arith.constant 0 : i32
        %cond3A_617 = arith.cmpi ne, %convert_element_type3A_615, %cond3A_616 : i32
        scf.if %cond3A_617 {
          %dma_start3A_618 = arith.constant 3 : i32
          %dma_start3A_619 = arith.constant 0 : i32
          %dma_start3A_620 = arith.constant 0 : i32
          %dma_start3A_621 = tpu.memref_slice %arg8[%dma_start3A_618, %dma_start3A_619, %dma_start3A_620] : memref<8x64x128xf32, #tpu.memory_space<vmem>> -> memref<1x64x128xf32, #tpu.memory_space<vmem>>
          %dma_start3A_622 = tpu.memref_squeeze %dma_start3A_621 : memref<1x64x128xf32, #tpu.memory_space<vmem>> -> memref<64x128xf32, #tpu.memory_space<vmem>>
          %dma_start3A_623 = arith.constant 0 : i32
          %dma_start3A_624 = arith.constant 0 : i32
          %dma_start3A_625 = tpu.memref_slice %arg8[%dma_start3A_618, %dma_start3A_623, %dma_start3A_624] : memref<8x64x128xf32, #tpu.memory_space<vmem>> -> memref<1x64x128xf32, #tpu.memory_space<vmem>>
          %dma_start3A_626 = tpu.memref_squeeze %dma_start3A_625 : memref<1x64x128xf32, #tpu.memory_space<vmem>> -> memref<64x128xf32, #tpu.memory_space<vmem>>
          tpu.enqueue_dma source(%arg5 : memref<64x128xf32, #tpu.memory_space<hbm>>) target(%dma_start3A_626 : memref<64x128xf32, #tpu.memory_space<vmem>>) target_semaphore(%arg10 : memref<!tpu.dma_semaphore, #tpu.memory_space<semaphore_mem>>)
        } else {
        }
      } else {
      }
      %dma_wait3A_366 = arith.constant 4 : i32
      %dma_wait3A_367 = arith.constant 0 : i32
      %dma_wait3A_368 = arith.constant 0 : i32
      %dma_wait3A_369 = tpu.memref_slice %arg8[%dma_wait3A_366, %dma_wait3A_367, %dma_wait3A_368] : memref<8x64x128xf32, #tpu.memory_space<vmem>> -> memref<1x64x128xf32, #tpu.memory_space<vmem>>
      %dma_wait3A_370 = tpu.memref_squeeze %dma_wait3A_369 : memref<1x64x128xf32, #tpu.memory_space<vmem>> -> memref<64x128xf32, #tpu.memory_space<vmem>>
      %dma_wait3A_371 = arith.constant 0 : i32
      %dma_wait3A_372 = arith.constant 0 : i32
      %dma_wait3A_373 = tpu.memref_slice %arg8[%dma_wait3A_366, %dma_wait3A_371, %dma_wait3A_372] : memref<8x64x128xf32, #tpu.memory_space<vmem>> -> memref<1x64x128xf32, #tpu.memory_space<vmem>>
      %dma_wait3A_374 = tpu.memref_squeeze %dma_wait3A_373 : memref<1x64x128xf32, #tpu.memory_space<vmem>> -> memref<64x128xf32, #tpu.memory_space<vmem>>
      tpu.wait_dma2 semaphore(%arg10 : memref<!tpu.dma_semaphore, #tpu.memory_space<semaphore_mem>>) src(%arg5 : memref<64x128xf32, #tpu.memory_space<hbm>>) dst(%dma_wait3A_374 : memref<64x128xf32, #tpu.memory_space<vmem>>)
      %slice3A_375 = vector.extract_strided_slice %and3A_128 {offsets = [4], sizes = [1], strides = [1]} : vector<16xi32> to vector<1xi32>
      %squeeze3A_376 = vector.extract %slice3A_375[0] : i32 from vector<1xi32>
      %broadcast_in_dim3A_377 = vector.broadcast %squeeze3A_376 : i32 to vector<16xi32>
      %add3A_378 = arith.constant 4 : i32
      %add3A_379 = arith.addi %mul3A_121, %add3A_378 : i32
      %broadcast_in_dim3A_380 = vector.broadcast %add3A_379 : i32 to vector<16xi32>
      %broadcast_in_dim3A_381 = arith.constant 4 : i32
      %broadcast_in_dim3A_382 = vector.broadcast %broadcast_in_dim3A_381 : i32 to vector<16xi32>
      %add3A_383 = arith.constant 0 : i32
      %add3A_384 = vector.broadcast %add3A_383 : i32 to vector<16xi32>
      %add3A_385 = arith.addi %iota3A, %add3A_384 : vector<16xi32>
      %gather3A_386 = tpu.vector_load_idx %arg8[%broadcast_in_dim3A_382, %add3A_385, %broadcast_in_dim3A_377] : memref<8x64x128xf32, #tpu.memory_space<vmem>>[vector<16xi32>, vector<16xi32>, vector<16xi32>], vector<16xf32>,
      %add3A_387 = arith.constant 0 : i32
      %add3A_388 = vector.broadcast %add3A_387 : i32 to vector<16xi32>
      %add3A_389 = arith.addi %iota3A, %add3A_388 : vector<16xi32>
      tpu.vector_store_idx %arg9[%add3A_389, %broadcast_in_dim3A_380], %gather3A_386 : memref<80x512xf32, #tpu.memory_space<vmem>>[vector<16xi32>, vector<16xi32>], vector<16xf32>,
      %broadcast_in_dim3A_390 = arith.constant 4 : i32
      %broadcast_in_dim3A_391 = vector.broadcast %broadcast_in_dim3A_390 : i32 to vector<16xi32>
      %add3A_392 = arith.constant 16 : i32
      %add3A_393 = vector.broadcast %add3A_392 : i32 to vector<16xi32>
      %add3A_394 = arith.addi %iota3A, %add3A_393 : vector<16xi32>
      %gather3A_395 = tpu.vector_load_idx %arg8[%broadcast_in_dim3A_391, %add3A_394, %broadcast_in_dim3A_377] : memref<8x64x128xf32, #tpu.memory_space<vmem>>[vector<16xi32>, vector<16xi32>, vector<16xi32>], vector<16xf32>,
      %add3A_396 = arith.constant 16 : i32
      %add3A_397 = vector.broadcast %add3A_396 : i32 to vector<16xi32>
      %add3A_398 = arith.addi %iota3A, %add3A_397 : vector<16xi32>
      tpu.vector_store_idx %arg9[%add3A_398, %broadcast_in_dim3A_380], %gather3A_395 : memref<80x512xf32, #tpu.memory_space<vmem>>[vector<16xi32>, vector<16xi32>], vector<16xf32>,
      %broadcast_in_dim3A_399 = arith.constant 4 : i32
      %broadcast_in_dim3A_400 = vector.broadcast %broadcast_in_dim3A_399 : i32 to vector<16xi32>
      %add3A_401 = arith.constant 32 : i32
      %add3A_402 = vector.broadcast %add3A_401 : i32 to vector<16xi32>
      %add3A_403 = arith.addi %iota3A, %add3A_402 : vector<16xi32>
      %gather3A_404 = tpu.vector_load_idx %arg8[%broadcast_in_dim3A_400, %add3A_403, %broadcast_in_dim3A_377] : memref<8x64x128xf32, #tpu.memory_space<vmem>>[vector<16xi32>, vector<16xi32>, vector<16xi32>], vector<16xf32>,
      %add3A_405 = arith.constant 32 : i32
      %add3A_406 = vector.broadcast %add3A_405 : i32 to vector<16xi32>
      %add3A_407 = arith.addi %iota3A, %add3A_406 : vector<16xi32>
      tpu.vector_store_idx %arg9[%add3A_407, %broadcast_in_dim3A_380], %gather3A_404 : memref<80x512xf32, #tpu.memory_space<vmem>>[vector<16xi32>, vector<16xi32>], vector<16xf32>,
      %broadcast_in_dim3A_408 = arith.constant 4 : i32
      %broadcast_in_dim3A_409 = vector.broadcast %broadcast_in_dim3A_408 : i32 to vector<16xi32>
      %add3A_410 = arith.constant 48 : i32
      %add3A_411 = vector.broadcast %add3A_410 : i32 to vector<16xi32>
      %add3A_412 = arith.addi %iota3A, %add3A_411 : vector<16xi32>
      %gather3A_413 = tpu.vector_load_idx %arg8[%broadcast_in_dim3A_409, %add3A_412, %broadcast_in_dim3A_377] : memref<8x64x128xf32, #tpu.memory_space<vmem>>[vector<16xi32>, vector<16xi32>, vector<16xi32>], vector<16xf32>,
      %add3A_414 = arith.constant 48 : i32
      %add3A_415 = vector.broadcast %add3A_414 : i32 to vector<16xi32>
      %add3A_416 = arith.addi %iota3A, %add3A_415 : vector<16xi32>
      tpu.vector_store_idx %arg9[%add3A_416, %broadcast_in_dim3A_380], %gather3A_413 : memref<80x512xf32, #tpu.memory_space<vmem>>[vector<16xi32>, vector<16xi32>], vector<16xf32>,
      %add3A_417 = arith.constant 8 : i32
      %add3A_418 = arith.addi %mul3A_121, %add3A_417 : i32
      %add3A_419 = arith.constant 4 : i32
      %add3A_420 = arith.addi %add3A_418, %add3A_419 : i32
      %lt3A_421 = arith.constant 512 : i32
      %lt3A_422 = arith.cmpi slt, %add3A_420, %lt3A_421 : i32
      %convert_element_type3A_423 = arith.extui %lt3A_422 : i1 to i32
      %cond3A_424 = arith.constant 0 : i32
      %cond3A_425 = arith.cmpi ne, %convert_element_type3A_423, %cond3A_424 : i32
      scf.if %cond3A_425 {
        %slice3A_606 = vector.extract_strided_slice %shift_right_logical3A_126 {offsets = [12], sizes = [1], strides = [1]} : vector<16xi32> to vector<1xi32>
        %squeeze3A_607 = vector.extract %slice3A_606[0] : i32 from vector<1xi32>
        %le3A_608 = arith.constant 7811 : i32
        %le3A_609 = arith.cmpi sle, %squeeze3A_607, %le3A_608 : i32
        %convert_element_type3A_610 = arith.extui %le3A_609 : i1 to i32
        %cond3A_611 = arith.constant 0 : i32
        %cond3A_612 = arith.cmpi ne, %convert_element_type3A_610, %cond3A_611 : i32
        scf.if %cond3A_612 {
          %mul3A_618 = arith.constant 128 : i32
          %mul3A_619 = arith.muli %squeeze3A_607, %mul3A_618 : i32
          %multiple_of3A = tpu.assume_multiple %mul3A_619, 128 : i32
          %dma_start3A_620 = arith.constant 4 : i32
          %dma_start3A_621 = arith.constant 0 : i32
          %dma_start3A_622 = arith.constant 0 : i32
          %dma_start3A_623 = tpu.memref_slice %arg8[%dma_start3A_620, %dma_start3A_621, %dma_start3A_622] : memref<8x64x128xf32, #tpu.memory_space<vmem>> -> memref<1x64x128xf32, #tpu.memory_space<vmem>>
          %dma_start3A_624 = tpu.memref_squeeze %dma_start3A_623 : memref<1x64x128xf32, #tpu.memory_space<vmem>> -> memref<64x128xf32, #tpu.memory_space<vmem>>
          %dma_start3A_625 = arith.constant 0 : i32
          %dma_start3A_626 = tpu.memref_slice %arg4[%dma_start3A_625, %multiple_of3A] : memref<64x1000001xf32, #tpu.memory_space<hbm>> -> memref<64x128xf32, #tpu.memory_space<hbm>>
          %dma_start3A_627 = arith.constant 0 : i32
          %dma_start3A_628 = arith.constant 0 : i32
          %dma_start3A_629 = tpu.memref_slice %arg8[%dma_start3A_620, %dma_start3A_627, %dma_start3A_628] : memref<8x64x128xf32, #tpu.memory_space<vmem>> -> memref<1x64x128xf32, #tpu.memory_space<vmem>>
          %dma_start3A_630 = tpu.memref_squeeze %dma_start3A_629 : memref<1x64x128xf32, #tpu.memory_space<vmem>> -> memref<64x128xf32, #tpu.memory_space<vmem>>
          %dma_start3A_631 = arith.constant 0 : i32
          %dma_start3A_632 = tpu.memref_slice %arg4[%dma_start3A_631, %multiple_of3A] : memref<64x1000001xf32, #tpu.memory_space<hbm>> -> memref<64x128xf32, #tpu.memory_space<hbm>>
          tpu.enqueue_dma source(%dma_start3A_632 : memref<64x128xf32, #tpu.memory_space<hbm>>) target(%dma_start3A_630 : memref<64x128xf32, #tpu.memory_space<vmem>>) target_semaphore(%arg10 : memref<!tpu.dma_semaphore, #tpu.memory_space<semaphore_mem>>)
        } else {
        }
        %ge3A_613 = arith.constant 7812 : i32
        %ge3A_614 = arith.cmpi sge, %squeeze3A_607, %ge3A_613 : i32
        %convert_element_type3A_615 = arith.extui %ge3A_614 : i1 to i32
        %cond3A_616 = arith.constant 0 : i32
        %cond3A_617 = arith.cmpi ne, %convert_element_type3A_615, %cond3A_616 : i32
        scf.if %cond3A_617 {
          %dma_start3A_618 = arith.constant 4 : i32
          %dma_start3A_619 = arith.constant 0 : i32
          %dma_start3A_620 = arith.constant 0 : i32
          %dma_start3A_621 = tpu.memref_slice %arg8[%dma_start3A_618, %dma_start3A_619, %dma_start3A_620] : memref<8x64x128xf32, #tpu.memory_space<vmem>> -> memref<1x64x128xf32, #tpu.memory_space<vmem>>
          %dma_start3A_622 = tpu.memref_squeeze %dma_start3A_621 : memref<1x64x128xf32, #tpu.memory_space<vmem>> -> memref<64x128xf32, #tpu.memory_space<vmem>>
          %dma_start3A_623 = arith.constant 0 : i32
          %dma_start3A_624 = arith.constant 0 : i32
          %dma_start3A_625 = tpu.memref_slice %arg8[%dma_start3A_618, %dma_start3A_623, %dma_start3A_624] : memref<8x64x128xf32, #tpu.memory_space<vmem>> -> memref<1x64x128xf32, #tpu.memory_space<vmem>>
          %dma_start3A_626 = tpu.memref_squeeze %dma_start3A_625 : memref<1x64x128xf32, #tpu.memory_space<vmem>> -> memref<64x128xf32, #tpu.memory_space<vmem>>
          tpu.enqueue_dma source(%arg5 : memref<64x128xf32, #tpu.memory_space<hbm>>) target(%dma_start3A_626 : memref<64x128xf32, #tpu.memory_space<vmem>>) target_semaphore(%arg10 : memref<!tpu.dma_semaphore, #tpu.memory_space<semaphore_mem>>)
        } else {
        }
      } else {
      }
      %dma_wait3A_426 = arith.constant 5 : i32
      %dma_wait3A_427 = arith.constant 0 : i32
      %dma_wait3A_428 = arith.constant 0 : i32
      %dma_wait3A_429 = tpu.memref_slice %arg8[%dma_wait3A_426, %dma_wait3A_427, %dma_wait3A_428] : memref<8x64x128xf32, #tpu.memory_space<vmem>> -> memref<1x64x128xf32, #tpu.memory_space<vmem>>
      %dma_wait3A_430 = tpu.memref_squeeze %dma_wait3A_429 : memref<1x64x128xf32, #tpu.memory_space<vmem>> -> memref<64x128xf32, #tpu.memory_space<vmem>>
      %dma_wait3A_431 = arith.constant 0 : i32
      %dma_wait3A_432 = arith.constant 0 : i32
      %dma_wait3A_433 = tpu.memref_slice %arg8[%dma_wait3A_426, %dma_wait3A_431, %dma_wait3A_432] : memref<8x64x128xf32, #tpu.memory_space<vmem>> -> memref<1x64x128xf32, #tpu.memory_space<vmem>>
      %dma_wait3A_434 = tpu.memref_squeeze %dma_wait3A_433 : memref<1x64x128xf32, #tpu.memory_space<vmem>> -> memref<64x128xf32, #tpu.memory_space<vmem>>
      tpu.wait_dma2 semaphore(%arg10 : memref<!tpu.dma_semaphore, #tpu.memory_space<semaphore_mem>>) src(%arg5 : memref<64x128xf32, #tpu.memory_space<hbm>>) dst(%dma_wait3A_434 : memref<64x128xf32, #tpu.memory_space<vmem>>)
      %slice3A_435 = vector.extract_strided_slice %and3A_128 {offsets = [5], sizes = [1], strides = [1]} : vector<16xi32> to vector<1xi32>
      %squeeze3A_436 = vector.extract %slice3A_435[0] : i32 from vector<1xi32>
      %broadcast_in_dim3A_437 = vector.broadcast %squeeze3A_436 : i32 to vector<16xi32>
      %add3A_438 = arith.constant 5 : i32
      %add3A_439 = arith.addi %mul3A_121, %add3A_438 : i32
      %broadcast_in_dim3A_440 = vector.broadcast %add3A_439 : i32 to vector<16xi32>
      %broadcast_in_dim3A_441 = arith.constant 5 : i32
      %broadcast_in_dim3A_442 = vector.broadcast %broadcast_in_dim3A_441 : i32 to vector<16xi32>
      %add3A_443 = arith.constant 0 : i32
      %add3A_444 = vector.broadcast %add3A_443 : i32 to vector<16xi32>
      %add3A_445 = arith.addi %iota3A, %add3A_444 : vector<16xi32>
      %gather3A_446 = tpu.vector_load_idx %arg8[%broadcast_in_dim3A_442, %add3A_445, %broadcast_in_dim3A_437] : memref<8x64x128xf32, #tpu.memory_space<vmem>>[vector<16xi32>, vector<16xi32>, vector<16xi32>], vector<16xf32>,
      %add3A_447 = arith.constant 0 : i32
      %add3A_448 = vector.broadcast %add3A_447 : i32 to vector<16xi32>
      %add3A_449 = arith.addi %iota3A, %add3A_448 : vector<16xi32>
      tpu.vector_store_idx %arg9[%add3A_449, %broadcast_in_dim3A_440], %gather3A_446 : memref<80x512xf32, #tpu.memory_space<vmem>>[vector<16xi32>, vector<16xi32>], vector<16xf32>,
      %broadcast_in_dim3A_450 = arith.constant 5 : i32
      %broadcast_in_dim3A_451 = vector.broadcast %broadcast_in_dim3A_450 : i32 to vector<16xi32>
      %add3A_452 = arith.constant 16 : i32
      %add3A_453 = vector.broadcast %add3A_452 : i32 to vector<16xi32>
      %add3A_454 = arith.addi %iota3A, %add3A_453 : vector<16xi32>
      %gather3A_455 = tpu.vector_load_idx %arg8[%broadcast_in_dim3A_451, %add3A_454, %broadcast_in_dim3A_437] : memref<8x64x128xf32, #tpu.memory_space<vmem>>[vector<16xi32>, vector<16xi32>, vector<16xi32>], vector<16xf32>,
      %add3A_456 = arith.constant 16 : i32
      %add3A_457 = vector.broadcast %add3A_456 : i32 to vector<16xi32>
      %add3A_458 = arith.addi %iota3A, %add3A_457 : vector<16xi32>
      tpu.vector_store_idx %arg9[%add3A_458, %broadcast_in_dim3A_440], %gather3A_455 : memref<80x512xf32, #tpu.memory_space<vmem>>[vector<16xi32>, vector<16xi32>], vector<16xf32>,
      %broadcast_in_dim3A_459 = arith.constant 5 : i32
      %broadcast_in_dim3A_460 = vector.broadcast %broadcast_in_dim3A_459 : i32 to vector<16xi32>
      %add3A_461 = arith.constant 32 : i32
      %add3A_462 = vector.broadcast %add3A_461 : i32 to vector<16xi32>
      %add3A_463 = arith.addi %iota3A, %add3A_462 : vector<16xi32>
      %gather3A_464 = tpu.vector_load_idx %arg8[%broadcast_in_dim3A_460, %add3A_463, %broadcast_in_dim3A_437] : memref<8x64x128xf32, #tpu.memory_space<vmem>>[vector<16xi32>, vector<16xi32>, vector<16xi32>], vector<16xf32>,
      %add3A_465 = arith.constant 32 : i32
      %add3A_466 = vector.broadcast %add3A_465 : i32 to vector<16xi32>
      %add3A_467 = arith.addi %iota3A, %add3A_466 : vector<16xi32>
      tpu.vector_store_idx %arg9[%add3A_467, %broadcast_in_dim3A_440], %gather3A_464 : memref<80x512xf32, #tpu.memory_space<vmem>>[vector<16xi32>, vector<16xi32>], vector<16xf32>,
      %broadcast_in_dim3A_468 = arith.constant 5 : i32
      %broadcast_in_dim3A_469 = vector.broadcast %broadcast_in_dim3A_468 : i32 to vector<16xi32>
      %add3A_470 = arith.constant 48 : i32
      %add3A_471 = vector.broadcast %add3A_470 : i32 to vector<16xi32>
      %add3A_472 = arith.addi %iota3A, %add3A_471 : vector<16xi32>
      %gather3A_473 = tpu.vector_load_idx %arg8[%broadcast_in_dim3A_469, %add3A_472, %broadcast_in_dim3A_437] : memref<8x64x128xf32, #tpu.memory_space<vmem>>[vector<16xi32>, vector<16xi32>, vector<16xi32>], vector<16xf32>,
      %add3A_474 = arith.constant 48 : i32
      %add3A_475 = vector.broadcast %add3A_474 : i32 to vector<16xi32>
      %add3A_476 = arith.addi %iota3A, %add3A_475 : vector<16xi32>
      tpu.vector_store_idx %arg9[%add3A_476, %broadcast_in_dim3A_440], %gather3A_473 : memref<80x512xf32, #tpu.memory_space<vmem>>[vector<16xi32>, vector<16xi32>], vector<16xf32>,
      %add3A_477 = arith.constant 8 : i32
      %add3A_478 = arith.addi %mul3A_121, %add3A_477 : i32
      %add3A_479 = arith.constant 5 : i32
      %add3A_480 = arith.addi %add3A_478, %add3A_479 : i32
      %lt3A_481 = arith.constant 512 : i32
      %lt3A_482 = arith.cmpi slt, %add3A_480, %lt3A_481 : i32
      %convert_element_type3A_483 = arith.extui %lt3A_482 : i1 to i32
      %cond3A_484 = arith.constant 0 : i32
      %cond3A_485 = arith.cmpi ne, %convert_element_type3A_483, %cond3A_484 : i32
      scf.if %cond3A_485 {
        %slice3A_606 = vector.extract_strided_slice %shift_right_logical3A_126 {offsets = [13], sizes = [1], strides = [1]} : vector<16xi32> to vector<1xi32>
        %squeeze3A_607 = vector.extract %slice3A_606[0] : i32 from vector<1xi32>
        %le3A_608 = arith.constant 7811 : i32
        %le3A_609 = arith.cmpi sle, %squeeze3A_607, %le3A_608 : i32
        %convert_element_type3A_610 = arith.extui %le3A_609 : i1 to i32
        %cond3A_611 = arith.constant 0 : i32
        %cond3A_612 = arith.cmpi ne, %convert_element_type3A_610, %cond3A_611 : i32
        scf.if %cond3A_612 {
          %mul3A_618 = arith.constant 128 : i32
          %mul3A_619 = arith.muli %squeeze3A_607, %mul3A_618 : i32
          %multiple_of3A = tpu.assume_multiple %mul3A_619, 128 : i32
          %dma_start3A_620 = arith.constant 5 : i32
          %dma_start3A_621 = arith.constant 0 : i32
          %dma_start3A_622 = arith.constant 0 : i32
          %dma_start3A_623 = tpu.memref_slice %arg8[%dma_start3A_620, %dma_start3A_621, %dma_start3A_622] : memref<8x64x128xf32, #tpu.memory_space<vmem>> -> memref<1x64x128xf32, #tpu.memory_space<vmem>>
          %dma_start3A_624 = tpu.memref_squeeze %dma_start3A_623 : memref<1x64x128xf32, #tpu.memory_space<vmem>> -> memref<64x128xf32, #tpu.memory_space<vmem>>
          %dma_start3A_625 = arith.constant 0 : i32
          %dma_start3A_626 = tpu.memref_slice %arg4[%dma_start3A_625, %multiple_of3A] : memref<64x1000001xf32, #tpu.memory_space<hbm>> -> memref<64x128xf32, #tpu.memory_space<hbm>>
          %dma_start3A_627 = arith.constant 0 : i32
          %dma_start3A_628 = arith.constant 0 : i32
          %dma_start3A_629 = tpu.memref_slice %arg8[%dma_start3A_620, %dma_start3A_627, %dma_start3A_628] : memref<8x64x128xf32, #tpu.memory_space<vmem>> -> memref<1x64x128xf32, #tpu.memory_space<vmem>>
          %dma_start3A_630 = tpu.memref_squeeze %dma_start3A_629 : memref<1x64x128xf32, #tpu.memory_space<vmem>> -> memref<64x128xf32, #tpu.memory_space<vmem>>
          %dma_start3A_631 = arith.constant 0 : i32
          %dma_start3A_632 = tpu.memref_slice %arg4[%dma_start3A_631, %multiple_of3A] : memref<64x1000001xf32, #tpu.memory_space<hbm>> -> memref<64x128xf32, #tpu.memory_space<hbm>>
          tpu.enqueue_dma source(%dma_start3A_632 : memref<64x128xf32, #tpu.memory_space<hbm>>) target(%dma_start3A_630 : memref<64x128xf32, #tpu.memory_space<vmem>>) target_semaphore(%arg10 : memref<!tpu.dma_semaphore, #tpu.memory_space<semaphore_mem>>)
        } else {
        }
        %ge3A_613 = arith.constant 7812 : i32
        %ge3A_614 = arith.cmpi sge, %squeeze3A_607, %ge3A_613 : i32
        %convert_element_type3A_615 = arith.extui %ge3A_614 : i1 to i32
        %cond3A_616 = arith.constant 0 : i32
        %cond3A_617 = arith.cmpi ne, %convert_element_type3A_615, %cond3A_616 : i32
        scf.if %cond3A_617 {
          %dma_start3A_618 = arith.constant 5 : i32
          %dma_start3A_619 = arith.constant 0 : i32
          %dma_start3A_620 = arith.constant 0 : i32
          %dma_start3A_621 = tpu.memref_slice %arg8[%dma_start3A_618, %dma_start3A_619, %dma_start3A_620] : memref<8x64x128xf32, #tpu.memory_space<vmem>> -> memref<1x64x128xf32, #tpu.memory_space<vmem>>
          %dma_start3A_622 = tpu.memref_squeeze %dma_start3A_621 : memref<1x64x128xf32, #tpu.memory_space<vmem>> -> memref<64x128xf32, #tpu.memory_space<vmem>>
          %dma_start3A_623 = arith.constant 0 : i32
          %dma_start3A_624 = arith.constant 0 : i32
          %dma_start3A_625 = tpu.memref_slice %arg8[%dma_start3A_618, %dma_start3A_623, %dma_start3A_624] : memref<8x64x128xf32, #tpu.memory_space<vmem>> -> memref<1x64x128xf32, #tpu.memory_space<vmem>>
          %dma_start3A_626 = tpu.memref_squeeze %dma_start3A_625 : memref<1x64x128xf32, #tpu.memory_space<vmem>> -> memref<64x128xf32, #tpu.memory_space<vmem>>
          tpu.enqueue_dma source(%arg5 : memref<64x128xf32, #tpu.memory_space<hbm>>) target(%dma_start3A_626 : memref<64x128xf32, #tpu.memory_space<vmem>>) target_semaphore(%arg10 : memref<!tpu.dma_semaphore, #tpu.memory_space<semaphore_mem>>)
        } else {
        }
      } else {
      }
      %dma_wait3A_486 = arith.constant 6 : i32
      %dma_wait3A_487 = arith.constant 0 : i32
      %dma_wait3A_488 = arith.constant 0 : i32
      %dma_wait3A_489 = tpu.memref_slice %arg8[%dma_wait3A_486, %dma_wait3A_487, %dma_wait3A_488] : memref<8x64x128xf32, #tpu.memory_space<vmem>> -> memref<1x64x128xf32, #tpu.memory_space<vmem>>
      %dma_wait3A_490 = tpu.memref_squeeze %dma_wait3A_489 : memref<1x64x128xf32, #tpu.memory_space<vmem>> -> memref<64x128xf32, #tpu.memory_space<vmem>>
      %dma_wait3A_491 = arith.constant 0 : i32
      %dma_wait3A_492 = arith.constant 0 : i32
      %dma_wait3A_493 = tpu.memref_slice %arg8[%dma_wait3A_486, %dma_wait3A_491, %dma_wait3A_492] : memref<8x64x128xf32, #tpu.memory_space<vmem>> -> memref<1x64x128xf32, #tpu.memory_space<vmem>>
      %dma_wait3A_494 = tpu.memref_squeeze %dma_wait3A_493 : memref<1x64x128xf32, #tpu.memory_space<vmem>> -> memref<64x128xf32, #tpu.memory_space<vmem>>
      tpu.wait_dma2 semaphore(%arg10 : memref<!tpu.dma_semaphore, #tpu.memory_space<semaphore_mem>>) src(%arg5 : memref<64x128xf32, #tpu.memory_space<hbm>>) dst(%dma_wait3A_494 : memref<64x128xf32, #tpu.memory_space<vmem>>)
      %slice3A_495 = vector.extract_strided_slice %and3A_128 {offsets = [6], sizes = [1], strides = [1]} : vector<16xi32> to vector<1xi32>
      %squeeze3A_496 = vector.extract %slice3A_495[0] : i32 from vector<1xi32>
      %broadcast_in_dim3A_497 = vector.broadcast %squeeze3A_496 : i32 to vector<16xi32>
      %add3A_498 = arith.constant 6 : i32
      %add3A_499 = arith.addi %mul3A_121, %add3A_498 : i32
      %broadcast_in_dim3A_500 = vector.broadcast %add3A_499 : i32 to vector<16xi32>
      %broadcast_in_dim3A_501 = arith.constant 6 : i32
      %broadcast_in_dim3A_502 = vector.broadcast %broadcast_in_dim3A_501 : i32 to vector<16xi32>
      %add3A_503 = arith.constant 0 : i32
      %add3A_504 = vector.broadcast %add3A_503 : i32 to vector<16xi32>
      %add3A_505 = arith.addi %iota3A, %add3A_504 : vector<16xi32>
      %gather3A_506 = tpu.vector_load_idx %arg8[%broadcast_in_dim3A_502, %add3A_505, %broadcast_in_dim3A_497] : memref<8x64x128xf32, #tpu.memory_space<vmem>>[vector<16xi32>, vector<16xi32>, vector<16xi32>], vector<16xf32>,
      %add3A_507 = arith.constant 0 : i32
      %add3A_508 = vector.broadcast %add3A_507 : i32 to vector<16xi32>
      %add3A_509 = arith.addi %iota3A, %add3A_508 : vector<16xi32>
      tpu.vector_store_idx %arg9[%add3A_509, %broadcast_in_dim3A_500], %gather3A_506 : memref<80x512xf32, #tpu.memory_space<vmem>>[vector<16xi32>, vector<16xi32>], vector<16xf32>,
      %broadcast_in_dim3A_510 = arith.constant 6 : i32
      %broadcast_in_dim3A_511 = vector.broadcast %broadcast_in_dim3A_510 : i32 to vector<16xi32>
      %add3A_512 = arith.constant 16 : i32
      %add3A_513 = vector.broadcast %add3A_512 : i32 to vector<16xi32>
      %add3A_514 = arith.addi %iota3A, %add3A_513 : vector<16xi32>
      %gather3A_515 = tpu.vector_load_idx %arg8[%broadcast_in_dim3A_511, %add3A_514, %broadcast_in_dim3A_497] : memref<8x64x128xf32, #tpu.memory_space<vmem>>[vector<16xi32>, vector<16xi32>, vector<16xi32>], vector<16xf32>,
      %add3A_516 = arith.constant 16 : i32
      %add3A_517 = vector.broadcast %add3A_516 : i32 to vector<16xi32>
      %add3A_518 = arith.addi %iota3A, %add3A_517 : vector<16xi32>
      tpu.vector_store_idx %arg9[%add3A_518, %broadcast_in_dim3A_500], %gather3A_515 : memref<80x512xf32, #tpu.memory_space<vmem>>[vector<16xi32>, vector<16xi32>], vector<16xf32>,
      %broadcast_in_dim3A_519 = arith.constant 6 : i32
      %broadcast_in_dim3A_520 = vector.broadcast %broadcast_in_dim3A_519 : i32 to vector<16xi32>
      %add3A_521 = arith.constant 32 : i32
      %add3A_522 = vector.broadcast %add3A_521 : i32 to vector<16xi32>
      %add3A_523 = arith.addi %iota3A, %add3A_522 : vector<16xi32>
      %gather3A_524 = tpu.vector_load_idx %arg8[%broadcast_in_dim3A_520, %add3A_523, %broadcast_in_dim3A_497] : memref<8x64x128xf32, #tpu.memory_space<vmem>>[vector<16xi32>, vector<16xi32>, vector<16xi32>], vector<16xf32>,
      %add3A_525 = arith.constant 32 : i32
      %add3A_526 = vector.broadcast %add3A_525 : i32 to vector<16xi32>
      %add3A_527 = arith.addi %iota3A, %add3A_526 : vector<16xi32>
      tpu.vector_store_idx %arg9[%add3A_527, %broadcast_in_dim3A_500], %gather3A_524 : memref<80x512xf32, #tpu.memory_space<vmem>>[vector<16xi32>, vector<16xi32>], vector<16xf32>,
      %broadcast_in_dim3A_528 = arith.constant 6 : i32
      %broadcast_in_dim3A_529 = vector.broadcast %broadcast_in_dim3A_528 : i32 to vector<16xi32>
      %add3A_530 = arith.constant 48 : i32
      %add3A_531 = vector.broadcast %add3A_530 : i32 to vector<16xi32>
      %add3A_532 = arith.addi %iota3A, %add3A_531 : vector<16xi32>
      %gather3A_533 = tpu.vector_load_idx %arg8[%broadcast_in_dim3A_529, %add3A_532, %broadcast_in_dim3A_497] : memref<8x64x128xf32, #tpu.memory_space<vmem>>[vector<16xi32>, vector<16xi32>, vector<16xi32>], vector<16xf32>,
      %add3A_534 = arith.constant 48 : i32
      %add3A_535 = vector.broadcast %add3A_534 : i32 to vector<16xi32>
      %add3A_536 = arith.addi %iota3A, %add3A_535 : vector<16xi32>
      tpu.vector_store_idx %arg9[%add3A_536, %broadcast_in_dim3A_500], %gather3A_533 : memref<80x512xf32, #tpu.memory_space<vmem>>[vector<16xi32>, vector<16xi32>], vector<16xf32>,
      %add3A_537 = arith.constant 8 : i32
      %add3A_538 = arith.addi %mul3A_121, %add3A_537 : i32
      %add3A_539 = arith.constant 6 : i32
      %add3A_540 = arith.addi %add3A_538, %add3A_539 : i32
      %lt3A_541 = arith.constant 512 : i32
      %lt3A_542 = arith.cmpi slt, %add3A_540, %lt3A_541 : i32
      %convert_element_type3A_543 = arith.extui %lt3A_542 : i1 to i32
      %cond3A_544 = arith.constant 0 : i32
      %cond3A_545 = arith.cmpi ne, %convert_element_type3A_543, %cond3A_544 : i32
      scf.if %cond3A_545 {
        %slice3A_606 = vector.extract_strided_slice %shift_right_logical3A_126 {offsets = [14], sizes = [1], strides = [1]} : vector<16xi32> to vector<1xi32>
        %squeeze3A_607 = vector.extract %slice3A_606[0] : i32 from vector<1xi32>
        %le3A_608 = arith.constant 7811 : i32
        %le3A_609 = arith.cmpi sle, %squeeze3A_607, %le3A_608 : i32
        %convert_element_type3A_610 = arith.extui %le3A_609 : i1 to i32
        %cond3A_611 = arith.constant 0 : i32
        %cond3A_612 = arith.cmpi ne, %convert_element_type3A_610, %cond3A_611 : i32
        scf.if %cond3A_612 {
          %mul3A_618 = arith.constant 128 : i32
          %mul3A_619 = arith.muli %squeeze3A_607, %mul3A_618 : i32
          %multiple_of3A = tpu.assume_multiple %mul3A_619, 128 : i32
          %dma_start3A_620 = arith.constant 6 : i32
          %dma_start3A_621 = arith.constant 0 : i32
          %dma_start3A_622 = arith.constant 0 : i32
          %dma_start3A_623 = tpu.memref_slice %arg8[%dma_start3A_620, %dma_start3A_621, %dma_start3A_622] : memref<8x64x128xf32, #tpu.memory_space<vmem>> -> memref<1x64x128xf32, #tpu.memory_space<vmem>>
          %dma_start3A_624 = tpu.memref_squeeze %dma_start3A_623 : memref<1x64x128xf32, #tpu.memory_space<vmem>> -> memref<64x128xf32, #tpu.memory_space<vmem>>
          %dma_start3A_625 = arith.constant 0 : i32
          %dma_start3A_626 = tpu.memref_slice %arg4[%dma_start3A_625, %multiple_of3A] : memref<64x1000001xf32, #tpu.memory_space<hbm>> -> memref<64x128xf32, #tpu.memory_space<hbm>>
          %dma_start3A_627 = arith.constant 0 : i32
          %dma_start3A_628 = arith.constant 0 : i32
          %dma_start3A_629 = tpu.memref_slice %arg8[%dma_start3A_620, %dma_start3A_627, %dma_start3A_628] : memref<8x64x128xf32, #tpu.memory_space<vmem>> -> memref<1x64x128xf32, #tpu.memory_space<vmem>>
          %dma_start3A_630 = tpu.memref_squeeze %dma_start3A_629 : memref<1x64x128xf32, #tpu.memory_space<vmem>> -> memref<64x128xf32, #tpu.memory_space<vmem>>
          %dma_start3A_631 = arith.constant 0 : i32
          %dma_start3A_632 = tpu.memref_slice %arg4[%dma_start3A_631, %multiple_of3A] : memref<64x1000001xf32, #tpu.memory_space<hbm>> -> memref<64x128xf32, #tpu.memory_space<hbm>>
          tpu.enqueue_dma source(%dma_start3A_632 : memref<64x128xf32, #tpu.memory_space<hbm>>) target(%dma_start3A_630 : memref<64x128xf32, #tpu.memory_space<vmem>>) target_semaphore(%arg10 : memref<!tpu.dma_semaphore, #tpu.memory_space<semaphore_mem>>)
        } else {
        }
        %ge3A_613 = arith.constant 7812 : i32
        %ge3A_614 = arith.cmpi sge, %squeeze3A_607, %ge3A_613 : i32
        %convert_element_type3A_615 = arith.extui %ge3A_614 : i1 to i32
        %cond3A_616 = arith.constant 0 : i32
        %cond3A_617 = arith.cmpi ne, %convert_element_type3A_615, %cond3A_616 : i32
        scf.if %cond3A_617 {
          %dma_start3A_618 = arith.constant 6 : i32
          %dma_start3A_619 = arith.constant 0 : i32
          %dma_start3A_620 = arith.constant 0 : i32
          %dma_start3A_621 = tpu.memref_slice %arg8[%dma_start3A_618, %dma_start3A_619, %dma_start3A_620] : memref<8x64x128xf32, #tpu.memory_space<vmem>> -> memref<1x64x128xf32, #tpu.memory_space<vmem>>
          %dma_start3A_622 = tpu.memref_squeeze %dma_start3A_621 : memref<1x64x128xf32, #tpu.memory_space<vmem>> -> memref<64x128xf32, #tpu.memory_space<vmem>>
          %dma_start3A_623 = arith.constant 0 : i32
          %dma_start3A_624 = arith.constant 0 : i32
          %dma_start3A_625 = tpu.memref_slice %arg8[%dma_start3A_618, %dma_start3A_623, %dma_start3A_624] : memref<8x64x128xf32, #tpu.memory_space<vmem>> -> memref<1x64x128xf32, #tpu.memory_space<vmem>>
          %dma_start3A_626 = tpu.memref_squeeze %dma_start3A_625 : memref<1x64x128xf32, #tpu.memory_space<vmem>> -> memref<64x128xf32, #tpu.memory_space<vmem>>
          tpu.enqueue_dma source(%arg5 : memref<64x128xf32, #tpu.memory_space<hbm>>) target(%dma_start3A_626 : memref<64x128xf32, #tpu.memory_space<vmem>>) target_semaphore(%arg10 : memref<!tpu.dma_semaphore, #tpu.memory_space<semaphore_mem>>)
        } else {
        }
      } else {
      }
      %dma_wait3A_546 = arith.constant 7 : i32
      %dma_wait3A_547 = arith.constant 0 : i32
      %dma_wait3A_548 = arith.constant 0 : i32
      %dma_wait3A_549 = tpu.memref_slice %arg8[%dma_wait3A_546, %dma_wait3A_547, %dma_wait3A_548] : memref<8x64x128xf32, #tpu.memory_space<vmem>> -> memref<1x64x128xf32, #tpu.memory_space<vmem>>
      %dma_wait3A_550 = tpu.memref_squeeze %dma_wait3A_549 : memref<1x64x128xf32, #tpu.memory_space<vmem>> -> memref<64x128xf32, #tpu.memory_space<vmem>>
      %dma_wait3A_551 = arith.constant 0 : i32
      %dma_wait3A_552 = arith.constant 0 : i32
      %dma_wait3A_553 = tpu.memref_slice %arg8[%dma_wait3A_546, %dma_wait3A_551, %dma_wait3A_552] : memref<8x64x128xf32, #tpu.memory_space<vmem>> -> memref<1x64x128xf32, #tpu.memory_space<vmem>>
      %dma_wait3A_554 = tpu.memref_squeeze %dma_wait3A_553 : memref<1x64x128xf32, #tpu.memory_space<vmem>> -> memref<64x128xf32, #tpu.memory_space<vmem>>
      tpu.wait_dma2 semaphore(%arg10 : memref<!tpu.dma_semaphore, #tpu.memory_space<semaphore_mem>>) src(%arg5 : memref<64x128xf32, #tpu.memory_space<hbm>>) dst(%dma_wait3A_554 : memref<64x128xf32, #tpu.memory_space<vmem>>)
      %slice3A_555 = vector.extract_strided_slice %and3A_128 {offsets = [7], sizes = [1], strides = [1]} : vector<16xi32> to vector<1xi32>
      %squeeze3A_556 = vector.extract %slice3A_555[0] : i32 from vector<1xi32>
      %broadcast_in_dim3A_557 = vector.broadcast %squeeze3A_556 : i32 to vector<16xi32>
      %add3A_558 = arith.constant 7 : i32
      %add3A_559 = arith.addi %mul3A_121, %add3A_558 : i32
      %broadcast_in_dim3A_560 = vector.broadcast %add3A_559 : i32 to vector<16xi32>
      %broadcast_in_dim3A_561 = arith.constant 7 : i32
      %broadcast_in_dim3A_562 = vector.broadcast %broadcast_in_dim3A_561 : i32 to vector<16xi32>
      %add3A_563 = arith.constant 0 : i32
      %add3A_564 = vector.broadcast %add3A_563 : i32 to vector<16xi32>
      %add3A_565 = arith.addi %iota3A, %add3A_564 : vector<16xi32>
      %gather3A_566 = tpu.vector_load_idx %arg8[%broadcast_in_dim3A_562, %add3A_565, %broadcast_in_dim3A_557] : memref<8x64x128xf32, #tpu.memory_space<vmem>>[vector<16xi32>, vector<16xi32>, vector<16xi32>], vector<16xf32>,
      %add3A_567 = arith.constant 0 : i32
      %add3A_568 = vector.broadcast %add3A_567 : i32 to vector<16xi32>
      %add3A_569 = arith.addi %iota3A, %add3A_568 : vector<16xi32>
      tpu.vector_store_idx %arg9[%add3A_569, %broadcast_in_dim3A_560], %gather3A_566 : memref<80x512xf32, #tpu.memory_space<vmem>>[vector<16xi32>, vector<16xi32>], vector<16xf32>,
      %broadcast_in_dim3A_570 = arith.constant 7 : i32
      %broadcast_in_dim3A_571 = vector.broadcast %broadcast_in_dim3A_570 : i32 to vector<16xi32>
      %add3A_572 = arith.constant 16 : i32
      %add3A_573 = vector.broadcast %add3A_572 : i32 to vector<16xi32>
      %add3A_574 = arith.addi %iota3A, %add3A_573 : vector<16xi32>
      %gather3A_575 = tpu.vector_load_idx %arg8[%broadcast_in_dim3A_571, %add3A_574, %broadcast_in_dim3A_557] : memref<8x64x128xf32, #tpu.memory_space<vmem>>[vector<16xi32>, vector<16xi32>, vector<16xi32>], vector<16xf32>,
      %add3A_576 = arith.constant 16 : i32
      %add3A_577 = vector.broadcast %add3A_576 : i32 to vector<16xi32>
      %add3A_578 = arith.addi %iota3A, %add3A_577 : vector<16xi32>
      tpu.vector_store_idx %arg9[%add3A_578, %broadcast_in_dim3A_560], %gather3A_575 : memref<80x512xf32, #tpu.memory_space<vmem>>[vector<16xi32>, vector<16xi32>], vector<16xf32>,
      %broadcast_in_dim3A_579 = arith.constant 7 : i32
      %broadcast_in_dim3A_580 = vector.broadcast %broadcast_in_dim3A_579 : i32 to vector<16xi32>
      %add3A_581 = arith.constant 32 : i32
      %add3A_582 = vector.broadcast %add3A_581 : i32 to vector<16xi32>
      %add3A_583 = arith.addi %iota3A, %add3A_582 : vector<16xi32>
      %gather3A_584 = tpu.vector_load_idx %arg8[%broadcast_in_dim3A_580, %add3A_583, %broadcast_in_dim3A_557] : memref<8x64x128xf32, #tpu.memory_space<vmem>>[vector<16xi32>, vector<16xi32>, vector<16xi32>], vector<16xf32>,
      %add3A_585 = arith.constant 32 : i32
      %add3A_586 = vector.broadcast %add3A_585 : i32 to vector<16xi32>
      %add3A_587 = arith.addi %iota3A, %add3A_586 : vector<16xi32>
      tpu.vector_store_idx %arg9[%add3A_587, %broadcast_in_dim3A_560], %gather3A_584 : memref<80x512xf32, #tpu.memory_space<vmem>>[vector<16xi32>, vector<16xi32>], vector<16xf32>,
      %broadcast_in_dim3A_588 = arith.constant 7 : i32
      %broadcast_in_dim3A_589 = vector.broadcast %broadcast_in_dim3A_588 : i32 to vector<16xi32>
      %add3A_590 = arith.constant 48 : i32
      %add3A_591 = vector.broadcast %add3A_590 : i32 to vector<16xi32>
      %add3A_592 = arith.addi %iota3A, %add3A_591 : vector<16xi32>
      %gather3A_593 = tpu.vector_load_idx %arg8[%broadcast_in_dim3A_589, %add3A_592, %broadcast_in_dim3A_557] : memref<8x64x128xf32, #tpu.memory_space<vmem>>[vector<16xi32>, vector<16xi32>, vector<16xi32>], vector<16xf32>,
      %add3A_594 = arith.constant 48 : i32
      %add3A_595 = vector.broadcast %add3A_594 : i32 to vector<16xi32>
      %add3A_596 = arith.addi %iota3A, %add3A_595 : vector<16xi32>
      tpu.vector_store_idx %arg9[%add3A_596, %broadcast_in_dim3A_560], %gather3A_593 : memref<80x512xf32, #tpu.memory_space<vmem>>[vector<16xi32>, vector<16xi32>], vector<16xf32>,
      %add3A_597 = arith.constant 8 : i32
      %add3A_598 = arith.addi %mul3A_121, %add3A_597 : i32
      %add3A_599 = arith.constant 7 : i32
      %add3A_600 = arith.addi %add3A_598, %add3A_599 : i32
      %lt3A_601 = arith.constant 512 : i32
      %lt3A_602 = arith.cmpi slt, %add3A_600, %lt3A_601 : i32
      %convert_element_type3A_603 = arith.extui %lt3A_602 : i1 to i32
      %cond3A_604 = arith.constant 0 : i32
      %cond3A_605 = arith.cmpi ne, %convert_element_type3A_603, %cond3A_604 : i32
      scf.if %cond3A_605 {
        %slice3A_606 = vector.extract_strided_slice %shift_right_logical3A_126 {offsets = [15], sizes = [1], strides = [1]} : vector<16xi32> to vector<1xi32>
        %squeeze3A_607 = vector.extract %slice3A_606[0] : i32 from vector<1xi32>
        %le3A_608 = arith.constant 7811 : i32
        %le3A_609 = arith.cmpi sle, %squeeze3A_607, %le3A_608 : i32
        %convert_element_type3A_610 = arith.extui %le3A_609 : i1 to i32
        %cond3A_611 = arith.constant 0 : i32
        %cond3A_612 = arith.cmpi ne, %convert_element_type3A_610, %cond3A_611 : i32
        scf.if %cond3A_612 {
          %mul3A_618 = arith.constant 128 : i32
          %mul3A_619 = arith.muli %squeeze3A_607, %mul3A_618 : i32
          %multiple_of3A = tpu.assume_multiple %mul3A_619, 128 : i32
          %dma_start3A_620 = arith.constant 7 : i32
          %dma_start3A_621 = arith.constant 0 : i32
          %dma_start3A_622 = arith.constant 0 : i32
          %dma_start3A_623 = tpu.memref_slice %arg8[%dma_start3A_620, %dma_start3A_621, %dma_start3A_622] : memref<8x64x128xf32, #tpu.memory_space<vmem>> -> memref<1x64x128xf32, #tpu.memory_space<vmem>>
          %dma_start3A_624 = tpu.memref_squeeze %dma_start3A_623 : memref<1x64x128xf32, #tpu.memory_space<vmem>> -> memref<64x128xf32, #tpu.memory_space<vmem>>
          %dma_start3A_625 = arith.constant 0 : i32
          %dma_start3A_626 = tpu.memref_slice %arg4[%dma_start3A_625, %multiple_of3A] : memref<64x1000001xf32, #tpu.memory_space<hbm>> -> memref<64x128xf32, #tpu.memory_space<hbm>>
          %dma_start3A_627 = arith.constant 0 : i32
          %dma_start3A_628 = arith.constant 0 : i32
          %dma_start3A_629 = tpu.memref_slice %arg8[%dma_start3A_620, %dma_start3A_627, %dma_start3A_628] : memref<8x64x128xf32, #tpu.memory_space<vmem>> -> memref<1x64x128xf32, #tpu.memory_space<vmem>>
          %dma_start3A_630 = tpu.memref_squeeze %dma_start3A_629 : memref<1x64x128xf32, #tpu.memory_space<vmem>> -> memref<64x128xf32, #tpu.memory_space<vmem>>
          %dma_start3A_631 = arith.constant 0 : i32
          %dma_start3A_632 = tpu.memref_slice %arg4[%dma_start3A_631, %multiple_of3A] : memref<64x1000001xf32, #tpu.memory_space<hbm>> -> memref<64x128xf32, #tpu.memory_space<hbm>>
          tpu.enqueue_dma source(%dma_start3A_632 : memref<64x128xf32, #tpu.memory_space<hbm>>) target(%dma_start3A_630 : memref<64x128xf32, #tpu.memory_space<vmem>>) target_semaphore(%arg10 : memref<!tpu.dma_semaphore, #tpu.memory_space<semaphore_mem>>)
        } else {
        }
        %ge3A_613 = arith.constant 7812 : i32
        %ge3A_614 = arith.cmpi sge, %squeeze3A_607, %ge3A_613 : i32
        %convert_element_type3A_615 = arith.extui %ge3A_614 : i1 to i32
        %cond3A_616 = arith.constant 0 : i32
        %cond3A_617 = arith.cmpi ne, %convert_element_type3A_615, %cond3A_616 : i32
        scf.if %cond3A_617 {
          %dma_start3A_618 = arith.constant 7 : i32
          %dma_start3A_619 = arith.constant 0 : i32
          %dma_start3A_620 = arith.constant 0 : i32
          %dma_start3A_621 = tpu.memref_slice %arg8[%dma_start3A_618, %dma_start3A_619, %dma_start3A_620] : memref<8x64x128xf32, #tpu.memory_space<vmem>> -> memref<1x64x128xf32, #tpu.memory_space<vmem>>
          %dma_start3A_622 = tpu.memref_squeeze %dma_start3A_621 : memref<1x64x128xf32, #tpu.memory_space<vmem>> -> memref<64x128xf32, #tpu.memory_space<vmem>>
          %dma_start3A_623 = arith.constant 0 : i32
          %dma_start3A_624 = arith.constant 0 : i32
          %dma_start3A_625 = tpu.memref_slice %arg8[%dma_start3A_618, %dma_start3A_623, %dma_start3A_624] : memref<8x64x128xf32, #tpu.memory_space<vmem>> -> memref<1x64x128xf32, #tpu.memory_space<vmem>>
          %dma_start3A_626 = tpu.memref_squeeze %dma_start3A_625 : memref<1x64x128xf32, #tpu.memory_space<vmem>> -> memref<64x128xf32, #tpu.memory_space<vmem>>
          tpu.enqueue_dma source(%arg5 : memref<64x128xf32, #tpu.memory_space<hbm>>) target(%dma_start3A_626 : memref<64x128xf32, #tpu.memory_space<vmem>>) target_semaphore(%arg10 : memref<!tpu.dma_semaphore, #tpu.memory_space<semaphore_mem>>)
        } else {
        }
      } else {
      }
    }
    %scan3A_109 = arith.constant 64 : i32
    %dma_wait3A = arith.constant 64 : i32
    %dma_wait3A_110 = arith.constant 0 : i32
    %dma_wait3A_111 = tpu.memref_slice %arg9[%dma_wait3A, %dma_wait3A_110] : memref<80x512xf32, #tpu.memory_space<vmem>> -> memref<16x512xf32, #tpu.memory_space<vmem>>
    %dma_wait3A_112 = arith.constant 0 : i32
    %dma_wait3A_113 = tpu.memref_slice %arg3[%dma_wait3A_112, %mul3A_2] : memref<16x16384xf32, #tpu.memory_space<hbm>> -> memref<16x512xf32, #tpu.memory_space<hbm>>
    %dma_wait3A_114 = arith.constant 64 : i32
    %dma_wait3A_115 = arith.constant 0 : i32
    %dma_wait3A_116 = tpu.memref_slice %arg9[%dma_wait3A_114, %dma_wait3A_115] : memref<80x512xf32, #tpu.memory_space<vmem>> -> memref<16x512xf32, #tpu.memory_space<vmem>>
    %dma_wait3A_117 = arith.constant 0 : i32
    %dma_wait3A_118 = tpu.memref_slice %arg3[%dma_wait3A_117, %mul3A_2] : memref<16x16384xf32, #tpu.memory_space<hbm>> -> memref<16x512xf32, #tpu.memory_space<hbm>>
    tpu.wait_dma2 semaphore(%arg11 : memref<!tpu.dma_semaphore, #tpu.memory_space<semaphore_mem>>) src(%dma_wait3A_118 : memref<16x512xf32, #tpu.memory_space<hbm>>) dst(%dma_wait3A_116 : memref<16x512xf32, #tpu.memory_space<vmem>>)
    "tpu.region"() ({
      %run_scoped3A = tpu.sem_alloc : memref<!tpu.dma_semaphore, #tpu.memory_space<semaphore_mem>>
      %dma_start3A_119 = arith.constant 0 : i32
      %dma_start3A_120 = tpu.memref_slice %arg6[%dma_start3A_119, %mul3A_2] : memref<80x16384xf32, #tpu.memory_space<hbm>> -> memref<80x512xf32, #tpu.memory_space<hbm>>
      %dma_start3A_121 = arith.constant 0 : i32
      %dma_start3A_122 = tpu.memref_slice %arg6[%dma_start3A_121, %mul3A_2] : memref<80x16384xf32, #tpu.memory_space<hbm>> -> memref<80x512xf32, #tpu.memory_space<hbm>>
      tpu.enqueue_dma source(%arg9 : memref<80x512xf32, #tpu.memory_space<vmem>>) target(%dma_start3A_122 : memref<80x512xf32, #tpu.memory_space<hbm>>) target_semaphore(%run_scoped3A : memref<!tpu.dma_semaphore, #tpu.memory_space<semaphore_mem>>)
      %dma_wait3A_123 = arith.constant 0 : i32
      %dma_wait3A_124 = tpu.memref_slice %arg6[%dma_wait3A_123, %mul3A_2] : memref<80x16384xf32, #tpu.memory_space<hbm>> -> memref<80x512xf32, #tpu.memory_space<hbm>>
      %dma_wait3A_125 = arith.constant 0 : i32
      %dma_wait3A_126 = tpu.memref_slice %arg6[%dma_wait3A_125, %mul3A_2] : memref<80x16384xf32, #tpu.memory_space<hbm>> -> memref<80x512xf32, #tpu.memory_space<hbm>>
      tpu.wait_dma2 semaphore(%run_scoped3A : memref<!tpu.dma_semaphore, #tpu.memory_space<semaphore_mem>>) src(%arg9 : memref<80x512xf32, #tpu.memory_space<vmem>>) dst(%dma_wait3A_126 : memref<80x512xf32, #tpu.memory_space<hbm>>)
      tpu.yield
    }) : () -> ()
    return
  }
}

</mosaic_0001>

<sc_bundles>
// kernel: kernel.3.cloned.1.call-start
scs
__scs_entry_jumppad:
0x0: {  	(pc) =	sbr.rel $0x88, $3  }
0x1: {  	(tag) =	ssettag $0x0;
	lr =	simm.s32 $0x1  }
0x2: {  	[smem:$0x3F9E] =	sst lr;
	_ =	strace $0xD0000000  }
0x3: {  	_ = 	snop  }
0x4: {  	_ = 	snop  }
0x5: {  	_ = 	snop  }
0x6: {  	_ = 	snop  }
0x7: {  	_ = 	snop  }
__scs_overlays_trampoline_lowered:
0x8: {  	[smem:$0x3FAD] =	sst s0  }
0x9: {  	[smem:$0x3FAE] =	sst s1  }
0xa: {  	[smem:$0x3FAF] =	sst s2  }
0xb: {  	[smem:$0x3FB0] =	sst s3  }
0xc: {  	[smem:$0x3FB1] =	sst s4  }
0xd: {  	[smem:$0x3FB2] =	sst s5  }
0xe: {  	[smem:$0x3FB3] =	sst s6  }
0xf: {  	[smem:$0x3FB4] =	sst s7  }
0x10: {  	[smem:$0x3FB5] =	sst s8  }
0x11: {  	[smem:$0x3FB6] =	sst s9;
	s0 =	simm.s32 @!p0 $0x0  }
0x12: {  	s1 =	sld [smem:$0x3F9C];
	s0 =	simm.s32 @p0 $0x1  }
0x13: {  	[smem:$0x3FB7] =	sst s0;
	s0 =	simm.s32 @!p1 $0x0  }
0x14: {  	s2 =	sld [smem:$0x3F9B];
	s0 =	simm.s32 @p1 $0x1  }
0x15: {  	[smem:$0x3FB8] =	sst s0;
	s0 =	simm.s32 @!p2 $0x0  }
0x16: {  	s3 =	sld [smem:$0x3FDB];
	s0 =	simm.s32 @p2 $0x1  }
0x17: {  	s4 =	simm.s32 $0x1BF5;
	[smem:$0x3FBA] =	sst s0  }
0x18: {  	s0 =	sld [smem:$0x3F9D];
	_ =	swait.ge [sflag:s4], $0x0  }
0x19: {  	s7 =	sld [smem:$0x3F9E]  }
0x1a: {  	s8 =	sadd.s32 $0xFFFFE003, lr  }
0x1b: {  	s9 =	sadd.s32 $0xFFFFFEF7, lr;
	s5 =	simm.s32 $0xFFFFFFFF;
	p2 =	slt.u32 s8, $0xFFFFF086  }
0x1c: {  	p1 =	slt.u32 s9, $0xF7A;
	s5 =	simm.s32 @!p2 $0x0  }
0x1d: {  	s5 =	simm.s32 @p1 $0x1;
	p0 =	seq.s32 s7, s2  }
0x1e: {  	s7 =	smul.u32 @!p0 $0xF7A, s2;
	p2 =	seq.s32 @!p0 s5, $0x0  }
0x1f: {  	s9 =	smul.u32 $0xF7A, s1;
	s8 =	simm.s32 @!p0 $0x1BF5;
	p2 =	por !p2, p0  }
0x20: {  	[sflag:s8] =	ssyncset.s32 @!p0 $0xFFFFF086;
	s6 =	sadd.s32 @!p0 s3, s7;
	s7 =	simm.s32 @!p0 $0x108  }
0x21: {  	s3 =	sadd.s32 s3, s9;
	s6 =	sadd.s32 @!p0 $0x88, s6;
	s7 =	simm.s32 @p2 $0x1082  }
0x22: {  	[simem:s7], [sflag:s8] =	dma.local @!p0 [hbm:s6], $0xF7A  }
0x23: {  	s9 =	sor.u32 $0xD0000000, s2;
	s6 =	simm.s32 $0x108;
	_ =	swait.ge @!p0 [sflag:s8], $0x0  }
0x24: {  	s3 =	sadd.s32 $0x88, s3;
	s6 =	simm.s32 @!p1 $0x1082;
	[sflag:s4] =	ssyncset.s32 $0xFFFFF086  }
0x25: {  	[simem:s6], [sflag:s4] =	dma.local [hbm:s3], $0xF7A  }
0x26: {  	[smem:$0x3F9E] =	sst s1;
	(tag) =	ssettag s2;
	_ =	strace s9  }
0x27: {  	s1 =	sld [smem:$0x3FAE]  }
0x28: {  	s2 =	sld [smem:$0x3FAF]  }
0x29: {  	s4 =	sld [smem:$0x3FB1]  }
0x2a: {  	p0 =	seq.s32 s5, $0x0;
	s5 =	sld [smem:$0x3FB2]  }
0x2b: {  	s6 =	sld [smem:$0x3FB3]  }
0x2c: {  	s7 =	sld [smem:$0x3FB4]  }
0x2d: {  	s3 =	simm.s32 $0x108;
	s8 =	sld [smem:$0x3FB5]  }
0x2e: {  	s3 =	simm.s32 @!p0 $0x1082;
	s9 =	sld [smem:$0x3FB6]  }
0x2f: {  	lr =	sadd.s32 s0, s3;
	s0 =	sld [smem:$0x3FAD]  }
0x30: {  	s3 =	sld [smem:$0x3FB0]  }
0x31: {  	[smem:$0x3FB9] =	sst s10  }
0x32: {  	s10 =	sld [smem:$0x3FB7];
	_ =	sdelay $0x3  }
0x33: {  	p0 =	seq.s32 s10, $0x1;
	s10 =	sld [smem:$0x3FB9];
	_ =	sdelay $0x3  }
0x34: {  	[smem:$0x3FB9] =	sst s10  }
0x35: {  	s10 =	sld [smem:$0x3FB8];
	_ =	sdelay $0x3  }
0x36: {  	p1 =	seq.s32 s10, $0x1;
	s10 =	sld [smem:$0x3FB9];
	_ =	sdelay $0x3  }
0x37: {  	[smem:$0x3FB9] =	sst s10  }
0x38: {  	s10 =	sld [smem:$0x3FBA]  }
0x39: {  	_ = 	snop;
	(pc) =	sbr.ind lr, $3  }
0x3a: {  	_ = 	snop  }
0x3b: {  	_ = 	snop  }
0x3c: {  	p2 =	seq.s32 s10, $0x1;
	s10 =	sld [smem:$0x3FB9]  }
0x3d: {  	_ =	shalt  }
0x3e: {  	_ =	shalt  }
0x3f: {  	_ =	shalt  }
0x40: {  	_ =	shalt  }
0x41: {  	_ =	shalt  }
0x42: {  	_ =	shalt  }
0x43: {  	_ =	shalt  }
0x44: {  	_ =	shalt  }
0x45: {  	_ =	shalt  }
0x46: {  	_ =	shalt  }
0x47: {  	_ =	shalt  }
0x48: {  	_ =	shalt  }
0x49: {  	_ =	shalt  }
0x4a: {  	_ =	shalt  }
0x4b: {  	_ =	shalt  }
0x4c: {  	_ =	shalt  }
0x4d: {  	_ =	shalt  }
0x4e: {  	_ =	shalt  }
0x4f: {  	_ =	shalt  }
0x50: {  	_ =	shalt  }
0x51: {  	_ =	shalt  }
0x52: {  	_ =	shalt  }
0x53: {  	_ =	shalt  }
0x54: {  	_ =	shalt  }
0x55: {  	_ =	shalt  }
0x56: {  	_ =	shalt  }
0x57: {  	_ =	shalt  }
0x58: {  	_ =	shalt  }
0x59: {  	_ =	shalt  }
0x5a: {  	_ =	shalt  }
0x5b: {  	_ =	shalt  }
0x5c: {  	_ =	shalt  }
0x5d: {  	_ =	shalt  }
0x5e: {  	_ =	shalt  }
0x5f: {  	_ =	shalt  }
0x60: {  	_ =	shalt  }
0x61: {  	_ =	shalt  }
0x62: {  	_ =	shalt  }
0x63: {  	_ =	shalt  }
0x64: {  	_ =	shalt  }
0x65: {  	_ =	shalt  }
0x66: {  	_ =	shalt  }
0x67: {  	_ =	shalt  }
0x68: {  	_ =	shalt  }
0x69: {  	_ =	shalt  }
0x6a: {  	_ =	shalt  }
0x6b: {  	_ =	shalt  }
0x6c: {  	_ =	shalt  }
0x6d: {  	_ =	shalt  }
0x6e: {  	_ =	shalt  }
0x6f: {  	_ =	shalt  }
0x70: {  	_ =	shalt  }
0x71: {  	_ =	shalt  }
0x72: {  	_ =	shalt  }
0x73: {  	_ =	shalt  }
0x74: {  	_ =	shalt  }
0x75: {  	_ =	shalt  }
0x76: {  	_ =	shalt  }
0x77: {  	_ =	shalt  }
0x78: {  	_ =	shalt  }
0x79: {  	_ =	shalt  }
0x7a: {  	_ =	shalt  }
0x7b: {  	_ =	shalt  }
0x7c: {  	_ =	shalt  }
0x7d: {  	_ =	shalt  }
0x7e: {  	_ =	shalt  }
0x7f: {  	_ =	shalt  }
0x80: {  	_ =	shalt  }
0x81: {  	_ =	shalt  }
0x82: {  	_ =	shalt  }
0x83: {  	_ =	shalt  }
0x84: {  	_ =	shalt  }
0x85: {  	_ =	shalt  }
0x86: {  	_ =	shalt  }
0x87: {  	_ =	shalt  }
.Lfunc_end0:
.L_simem_size_0:
called_computation_lowered:
.L_overlay_start_0:
0x88: {  	s2 =	sld [smem:$0x3FD9]  }
0x89: {  	s3 =	sld [smem:$0x3FFE];
	_ =	sdelay $0x1  }
0x8a: {  	s1 =	srdreg.scid  }
0x8b: {  	s0 =	sand.u32 $0x1, s1  }
0x8c: {  	s17 =	sshll.u32 s0, $0xA;
	s2 =	sadd.s32 s3, s2  }
0x8d: {  	s2 =	sadd.s32 s2, s17  }
0x8e: {  	[smem:$0x3FC5] =	sst s2  }
0x8f: {  	_ = 	snop  }
0x90: {  	s2 =	sld [smem:$0x3FC9]  }
0x91: {  	s18 =	sld [smem:$0x3FC8]  }
0x92: {  	s4 =	sld [smem:$0x3FC7]  }
0x93: {  	s5 =	sld [smem:$0x3FD0];
	(tm) =	ssettm $0x1  }
0x94: {  	s6 =	sld [smem:$0x3FFB];
	_ =	sdelay $0x3  }
0x95: {  	_ =	strace s6  }
0x96: {  	s6 =	sld [smem:$0x3FFC];
	_ =	sdelay $0x3  }
0x97: {  	_ =	strace s6  }
0x98: {  	s6 =	sld [smem:$0x3FFD];
	_ =	sdelay $0x3  }
0x99: {  	_ =	strace s6  }
0x9a: {  	_ =	strace $0x8FFFFFFF  }
0x9b: {  	s19 =	sld [smem:$0x3FDB];
	_ =	sdelay $0x1  }
0x9c: {  	s7 =	simm.s32 $_scs_section_size  }
0x9d: {  	s8 =	simm.s32 $_size__tile_overlayer_lowered;
	s9 =	simm.s32 $_tile_overlayer_lowered  }
0x9e: {  	s22 =	simm.s32 $0x1BFF;
	s21 =	sshll.u32 s9, $0x1;
	s6 =	sadd.s32 s7, s19  }
0x9f: {  	s10 =	simm.s32 $0x0;
	s20 =	sshll.u32 s8, $0x1;
	s8 =	sadd.s32 s21, s6  }
0xa0: {  	[timem:s10], [sflag:s22] =	dma.local [hbm:s8], s20  }
0xa1: {  	_ =	swait.ge [sflag:s22], s20  }
0xa2: {  	s7 =	ssub.s32 $0x0, s20;
	[sflag:s22] =	ssyncset.done $0x0  }
0xa3: {  	[sflag:s22] =	ssyncadd.s32 s7;
	_ =	sdelay $0x1  }
0xa4: {  	s23 =	simm.s32 $0x1B8B  }
0xa5: {  	_ =	swait.ge [sflag:s23], $0x1  }
0xa6: {  	[sflag:s23] =	ssyncset.done $0x0  }
0xa7: {  	s25 =	simm.s32 $0x1B8E;
	s24 =	sld [smem:$0x3FFE];
	[sflag:s23] =	ssyncadd.s32 $0xFFFFFFFF  }
0xa8: {  	s26 =	simm.s32 $execute0_lowered;
	[smem:$0x3FD2] =	sst s25  }
0xa9: {  	s8 =	sshll.u32 s26, $0x1;
	_ =	strace $0x80000046;
	[dreg:$0x1] =	wrdreg $0xFFFFFFFF  }
0xaa: {  	s28 =	simm.s32 $_size_execute0_lowered;
	s6 =	sadd.s32 s6, s8;
	[dreg:$0x0] =	wrdreg $0x0  }
0xab: {  	s8 =	sshll.u32 s28, $0x1;
	[dreg:$0x2] =	wrdreg s6  }
0xac: {  	[dreg:$0x3] =	wrdreg s8  }
0xad: {  	[dreg:$0x4] =	wrdreg $0xC0  }
0xae: {  	_ =	task [dreg:s10], $0x5FFFF  }
0xaf: {  	[dreg:$0x1] =	wrdreg $0xFFFFFFFF  }
0xb0: {  	[dreg:$0x0] =	wrdreg $0x60  }
0xb1: {  	[dreg:$0x2] =	wrdreg s2  }
0xb2: {  	[dreg:$0x3] =	wrdreg s18  }
0xb3: {  	[dreg:$0x4] =	wrdreg s4  }
0xb4: {  	[dreg:$0x5] =	wrdreg s24  }
0xb5: {  	[dreg:$0x6] =	wrdreg s5  }
0xb6: {  	[dreg:$0x7] =	wrdreg $0x9  }
0xb7: {  	_ =	task.clear_ibuf [dreg:s10], $0x8FFFF;
	_ =	strace $0x90000046  }
0xb8: {  	s29 =	simm.s32 $0x9;
	_ =	strace $0x80000048  }
0xb9: {  	_ =	swait.ge [sflag:s29], $0x1  }
0xba: {  	[sflag:s29] =	ssyncadd.s32 $0xFFFFFFFF  }
0xbb: {  	_ =	strace $0x90000048  }
0xbc: {  	_ =	sfence  }
0xbd: {  	s30 =	sld [smem:$0x0];
	_ =	sdelay $0x2  }
0xbe: {  	s31 =	sshll.u32 s1, $0xD;
	s1 =	sshrl.u32 s1, $0x2  }
0xbf: {  	s3 =	sand.u32 $0x4000, s31;
	s1 =	sadd.s32 s1, s30  }
0xc0: {  	s0 =	sor.u32 s3, s0;
	s1 =	sshll.u32 s1, $0x11  }
0xc1: {  	s0 =	sor.u32 s1, s0  }
0xc2: {  	s0 =	sadd.s32 $0x8F2B, s0  }
0xc3: {  	[sflag:s0] =	ssyncadd.remote.s32 $0x1  }
0xc4: {  	_ =	sfence.sel $0xFFFF  }
0xc5: {  	[dreg:$0x0] =	wrdreg $0xFFFFFFFF;
	(pc) =	sbr.abs _section_cstart, $3  }
0xc6: {  	[dreg:$0x1] =	wrdreg $0xFFFFFFFF  }
0xc7: {  	_ =	task.clear_ibuf [dreg:s10], $0x2FFFF;
	_ =	strace $0x9FFFFFFF  }
0xc8: {  	(tm) =	ssettm $0x7FFFFFFF  }
0xc9: {  	_ =	shalt  }
tec
execute0_lowered:
.L_overlay_start_1:
0x0: {  	(tag) =	ssettag $0x1  }
0x1: {  	v0 =	vimm.s32 $0x1380  }
0x2: {  	vm14 =	vcmask $0x300;
	vm13 =	vcmask $0x704;
	vm12 =	vcmask $0xB08  }
0x3: {  	vm11 =	vcmask $0xF0C;
	vm10 =	vcmask $0x1310;
	vm9 =	vcmask $0x1714  }
0x4: {  	vm8 =	vcmask $0x1B18;
	vm7 =	vcmask $0x1F1C;
	vm6 =	vcmask $0x2320  }
0x5: {  	vm5 =	vcmask $0x2724;
	vm4 =	vcmask $0x2B28;
	vm3 =	vcmask $0x2F2C  }
0x6: {  	vm2 =	vcmask $0x3330;
	v1 =	vlaneseq.u32;
	vm1 =	vcmask $0x3734  }
0x7: {  	vm0 =	vcmask $0x3B38;
	v3 =	vimm.s32 $0x3380;
	v4 =	vimm.s32 $0x5380  }
0x8: {  	v5 =	vimm.s32 $0x7380;
	v0 =	vsel vm14, $0x0, v0;
	v3 =	vsel vm14, $0x2000, v3  }
0x9: {  	v4 =	vsel vm14, $0x4000, v4;
	v5 =	vsel vm14, $0x6000, v5;
	v0 =	vsel vm13, $0x80, v0  }
0xa: {  	v3 =	vsel vm13, $0x2080, v3;
	v4 =	vsel vm13, $0x4080, v4;
	v5 =	vsel vm13, $0x6080, v5  }
0xb: {  	v0 =	vsel vm12, $0x100, v0;
	v3 =	vsel vm12, $0x2100, v3;
	v4 =	vsel vm12, $0x4100, v4  }
0xc: {  	v5 =	vsel vm12, $0x6100, v5;
	v0 =	vsel vm11, $0x180, v0;
	v3 =	vsel vm11, $0x2180, v3  }
0xd: {  	v4 =	vsel vm11, $0x4180, v4;
	v5 =	vsel vm11, $0x6180, v5;
	v0 =	vsel vm10, $0x200, v0  }
0xe: {  	v3 =	vsel vm10, $0x2200, v3;
	v4 =	vsel vm10, $0x4200, v4;
	v5 =	vsel vm10, $0x6200, v5  }
0xf: {  	v0 =	vsel vm9, $0x280, v0;
	v3 =	vsel vm9, $0x2280, v3;
	v4 =	vsel vm9, $0x4280, v4  }
0x10: {  	v5 =	vsel vm9, $0x6280, v5;
	v0 =	vsel vm8, $0x300, v0;
	v3 =	vsel vm8, $0x2300, v3  }
0x11: {  	v4 =	vsel vm8, $0x4300, v4;
	v5 =	vsel vm8, $0x6300, v5;
	v0 =	vsel vm7, $0x380, v0  }
0x12: {  	v3 =	vsel vm7, $0x2380, v3;
	v4 =	vsel vm7, $0x4380, v4;
	v5 =	vsel vm7, $0x6380, v5  }
0x13: {  	v0 =	vsel vm6, $0x1000, v0;
	v3 =	vsel vm6, $0x3000, v3;
	v4 =	vsel vm6, $0x5000, v4  }
0x14: {  	v5 =	vsel vm6, $0x7000, v5;
	v0 =	vsel vm5, $0x1080, v0;
	v3 =	vsel vm5, $0x3080, v3  }
0x15: {  	v4 =	vsel vm5, $0x5080, v4;
	v5 =	vsel vm5, $0x7080, v5;
	v0 =	vsel vm4, $0x1100, v0  }
0x16: {  	v3 =	vsel vm4, $0x3100, v3;
	v4 =	vsel vm4, $0x5100, v4;
	v5 =	vsel vm4, $0x7100, v5  }
0x17: {  	v0 =	vsel vm3, $0x1180, v0;
	v3 =	vsel vm3, $0x3180, v3;
	v4 =	vsel vm3, $0x5180, v4  }
0x18: {  	s5 =	rddreg [dreg:$0x0];
	v5 =	vsel vm3, $0x7180, v5;
	v2 =	vsel vm2, $0x1200, v0;
	v0 =	vmul.u32 $0x80, v1  }
0x19: {  	s6 =	rddreg [dreg:$0x1];
	v3 =	vsel vm2, $0x3200, v3;
	v4 =	vsel vm2, $0x5200, v4;
	v7 =	vsel vm2, $0x7200, v5  }
0x1a: {  	s0 =	rddreg [dreg:$0x2];
	v1 =	vsel vm1, $0x1280, v2;
	v3 =	vsel vm1, $0x3280, v3;
	v6 =	vsel vm1, $0x5280, v4  }
0x1b: {  	s4 =	rddreg [dreg:$0x3];
	v7 =	vsel vm1, $0x7280, v7;
	v1 =	vsel vm0, $0x1300, v1;
	v2 =	vor.u32 $0x800, v0  }
0x1c: {  	s7 =	rddreg [dreg:$0x4];
	v3 =	vsel vm0, $0x3300, v3;
	v4 =	vor.u32 $0x1000, v0;
	v5 =	vsel vm0, $0x5300, v6  }
0x1d: {  	s3 =	srdreg.scid;
	s1 =	rddreg [dreg:$0x5];
	v6 =	vor.u32 $0x1800, v0;
	v7 =	vsel vm0, $0x7300, v7;
	v8 =	vor.u32 $0x2000, v0  }
0x1e: {  	s2 =	stileid.u32;
	s12 =	simm.s32 $0x18280;
	s13 =	simm.s32 $0x1;
	v9 =	vor.u32 $0x2800, v0;
	v10 =	vor.u32 $0x3000, v0;
	v11 =	vor.u32 $0x3800, v0  }
0x1f: {  	s14 =	simm.s32 $0x280;
	s15 =	simm.s32 $0x10280;
	s16 =	simm.s32 $0x2;
	v12 =	vor.u32 $0x4000, v0;
	v13 =	vor.u32 $0x4800, v0;
	v14 =	vor.u32 $0x5000, v0  }
0x20: {  	s17 =	simm.s32 $0x0;
	s8 =	sand.u32 $0x1, s3;
	s3 =	simm.s32 $0x0;
	v15 =	vor.u32 $0x5800, v0;
	v16 =	vor.u32 $0x6000, v0;
	v17 =	vor.u32 $0x6800, v0  }
0x21: {  	s9 =	sshll.u32 s2, $0xA;
	s4 =	sadd.s32 $0x400, s4;
	s10 =	sshll.u32 s8, $0x9;
	v18 =	vor.u32 $0x7000, v0;
	v19 =	vor.u32 $0x7800, v0;
	v20 =	vor.u32 $0x8000, v0  }
.Ltmp0:
0x22: {  	[smem:$0x7FF] =	sst s3;
	s8 =	ssub.s32 $0x2, s8;
	v21 =	vor.u32 $0x8800, v0;
	v22 =	vor.u32 $0x9000, v0;
	v23 =	vor.u32 $0x9800, v0;
	(pc) =	sbr.rel .LBB2_1-.Ltmp0, $4  }
0x23: {  	s9 =	sor.u32 s10, s9;
	_ =	strace $0x80000047;
	s31 =	sshrl.u32 s8, $0x1;
	v24 =	vor.u32 $0xA000, v0;
	v25 =	vor.u32 $0xA800, v0;
	v26 =	vor.u32 $0xB000, v0  }
0x24: {  	s10 =	simm.s32 $0x1000;
	s11 =	sshrl.u32 s9, $0x3;
	s8 =	ssub.s32 s8, s31;
	v27 =	vor.u32 $0xB800, v0;
	v28 =	vor.u32 $0xC000, v0;
	v29 =	vor.u32 $0xC800, v0  }
0x25: {  	s6 =	sadd.s32 s6, s9;
	s7 =	sadd.s32 s7, s9;
	s9 =	simm.s32 $0x3;
	v30 =	vor.u32 $0xD000, v0;
	v31 =	vor.u32 $0xD800, v0;
	v32 =	vor.u32 $0xE000, v0  }
0x26: {  	s5 =	sadd.s32 s5, s11;
	s8 =	smax.u32 s8, $0x1;
	s11 =	simm.s32 $0x20000;
	v33 =	vor.u32 $0xE800, v0;
	v34 =	vor.u32 $0xF000, v0;
	v35 =	vor.u32 $0xF800, v0  }
.LBB2_4:
0x27: {  	_ =	swait.ge [sflag:s16], $0x2000;
	s17 =	sadd.s32 $0x1, s17  }
0x28: {  	[sflag:s16] =	ssyncset.done $0x0;
	p0 =	sne.s32 s17, s8  }
.Ltmp1:
0x29: {  	[sflag:s16] =	ssyncadd.s32 $0xFFFFE000;
	(pc) =	sbr.rel @!p0 .LBB2_5-.Ltmp1, $4  }
0x2a: {  	[hbm4b:s7+s10] =	stream.strided.scatter [tilespmem:s15], [sflag:$0x3], $0xA000, s11, s10, $0x38;
	[tilespmem:$0x1A280] =	vst v63  }
0x2b: {  	_ =	swait.ge [sflag:s9], $0xA000  }
0x2c: {  	[sflag:s9] =	ssyncset.done $0x0  }
0x2d: {  	[sflag:s9] =	ssyncadd.s32 $0xFFFF6000  }
.LBB2_1:
0x2e: {  	[tilespmem:s3], [sflag:$0x3] =	stream.linear.gather [hbm4b:s5+s3], $0x200, $0x38;
	[tilespmem:$0x1A280] =	vst v63  }
0x2f: {  	_ =	swait.ge [sflag:s9], $0x200  }
0x30: {  	[sflag:s9] =	ssyncset.done $0x0  }
0x31: {  	[sflag:s9] =	ssyncadd.s32 $0xFFFFFE00  }
0x32: {  	[tilespmem:s12], [sflag:$0x2] =	stream.strided.gather [hbm4b:s6+s10], $0x2000, s11, s10, $0x38;
	[tilespmem:$0x1A280] =	vst v63  }
0x33: {  	v36 =	vld [tilespmem:$0x0];
	_ =	sdelay $0x4  }
0x34: {  	v36 =	vshrl.u32 v36, $0x7  }
0x35: {  	(v2sf) =	vpush v36, $0x0;
	_ =	sdelay $0x6  }
0x36: {  	(v2sf) =	vpush v36, $0x1;
	_ =	sdelay $0x7  }
0x37: {  	s18 =	spop (v2sf);
	(v2sf) =	vpush v36, $0x2  }
0x38: {  	p0 =	sgt.u32 s18, $0x1E83  }
0x39: {  	s19 =	simm.s32 @p0 $0x0  }
0x3a: {  	s20 =	simm.s32 @p0 $0x280;
	s18 =	sshll.u32 @!p0 s18, $0x7;
	s21 =	simm.s32 @!p0 $0x280  }
0x3b: {  	[tilespmem:s20], [sflag:$0x1] =	stream.linear.gather @p0 [hbm4b:s4+s19], $0x2000, $0x38;
	[tilespmem:$0x1A280] =	vst v63  }
0x3c: {  	s18 =	sadd.s32 @!p0 s0, s18;
	s19 =	simm.s32 @!p0 $0x400;
	s20 =	simm.s32 @!p0 $0x7A1400  }
0x3d: {  	[tilespmem:s21], [sflag:$0x1] =	stream.strided.gather @!p0 [hbm4b:s18+s19], $0x2000, s20, s19, $0x38;
	[tilespmem:$0x1A280] =	vst v63  }
0x3e: {  	s18 =	spop (v2sf);
	(v2sf) =	vpush v36, $0x3;
	_ =	sdelay $0x1  }
0x3f: {  	p0 =	sgt.u32 s18, $0x1E83  }
0x40: {  	s19 =	simm.s32 @p0 $0x0  }
0x41: {  	s20 =	simm.s32 @p0 $0x2280;
	s18 =	sshll.u32 @!p0 s18, $0x7;
	s21 =	simm.s32 @!p0 $0x2280  }
0x42: {  	[tilespmem:s20], [sflag:$0x1] =	stream.linear.gather @p0 [hbm4b:s4+s19], $0x2000, $0x38;
	[tilespmem:$0x1A280] =	vst v63  }
0x43: {  	s18 =	sadd.s32 @!p0 s0, s18;
	s19 =	simm.s32 @!p0 $0x400;
	s20 =	simm.s32 @!p0 $0x7A1400  }
0x44: {  	[tilespmem:s21], [sflag:$0x1] =	stream.strided.gather @!p0 [hbm4b:s18+s19], $0x2000, s20, s19, $0x38;
	[tilespmem:$0x1A280] =	vst v63  }
0x45: {  	s18 =	spop (v2sf);
	(v2sf) =	vpush v36, $0x4  }
0x46: {  	p0 =	sgt.u32 s18, $0x1E83  }
0x47: {  	s19 =	simm.s32 @p0 $0x0  }
0x48: {  	s20 =	simm.s32 @p0 $0x4280;
	s18 =	sshll.u32 @!p0 s18, $0x7;
	s21 =	simm.s32 @!p0 $0x4280  }
0x49: {  	[tilespmem:s20], [sflag:$0x1] =	stream.linear.gather @p0 [hbm4b:s4+s19], $0x2000, $0x38;
	[tilespmem:$0x1A280] =	vst v63  }
0x4a: {  	s18 =	sadd.s32 @!p0 s0, s18;
	s19 =	simm.s32 @!p0 $0x400;
	s20 =	simm.s32 @!p0 $0x7A1400  }
0x4b: {  	[tilespmem:s21], [sflag:$0x1] =	stream.strided.gather @!p0 [hbm4b:s18+s19], $0x2000, s20, s19, $0x38;
	[tilespmem:$0x1A280] =	vst v63  }
0x4c: {  	s18 =	spop (v2sf);
	(v2sf) =	vpush v36, $0x5;
	_ =	sdelay $0x1  }
0x4d: {  	p0 =	sgt.u32 s18, $0x1E83  }
0x4e: {  	s19 =	simm.s32 @p0 $0x0  }
0x4f: {  	s20 =	simm.s32 @p0 $0x6280;
	s18 =	sshll.u32 @!p0 s18, $0x7;
	s21 =	simm.s32 @!p0 $0x6280  }
0x50: {  	[tilespmem:s20], [sflag:$0x1] =	stream.linear.gather @p0 [hbm4b:s4+s19], $0x2000, $0x38;
	[tilespmem:$0x1A280] =	vst v63  }
0x51: {  	s18 =	sadd.s32 @!p0 s0, s18;
	s19 =	simm.s32 @!p0 $0x400;
	s20 =	simm.s32 @!p0 $0x7A1400  }
0x52: {  	[tilespmem:s21], [sflag:$0x1] =	stream.strided.gather @!p0 [hbm4b:s18+s19], $0x2000, s20, s19, $0x38;
	[tilespmem:$0x1A280] =	vst v63  }
0x53: {  	s18 =	spop (v2sf);
	(v2sf) =	vpush v36, $0x6  }
0x54: {  	p0 =	sgt.u32 s18, $0x1E83  }
0x55: {  	s19 =	simm.s32 @p0 $0x0  }
0x56: {  	s20 =	simm.s32 @p0 $0x8280;
	s18 =	sshll.u32 @!p0 s18, $0x7;
	s21 =	simm.s32 @!p0 $0x8280  }
0x57: {  	[tilespmem:s20], [sflag:$0x1] =	stream.linear.gather @p0 [hbm4b:s4+s19], $0x2000, $0x38;
	[tilespmem:$0x1A280] =	vst v63  }
0x58: {  	s18 =	sadd.s32 @!p0 s0, s18;
	s19 =	simm.s32 @!p0 $0x400;
	s20 =	simm.s32 @!p0 $0x7A1400  }
0x59: {  	[tilespmem:s21], [sflag:$0x1] =	stream.strided.gather @!p0 [hbm4b:s18+s19], $0x2000, s20, s19, $0x38;
	[tilespmem:$0x1A280] =	vst v63  }
0x5a: {  	s18 =	spop (v2sf);
	(v2sf) =	vpush v36, $0x7;
	_ =	sdelay $0x1  }
0x5b: {  	p0 =	sgt.u32 s18, $0x1E83  }
0x5c: {  	s19 =	simm.s32 @p0 $0x0  }
0x5d: {  	s20 =	simm.s32 @p0 $0xA280;
	s18 =	sshll.u32 @!p0 s18, $0x7;
	s21 =	simm.s32 @!p0 $0xA280  }
0x5e: {  	[tilespmem:s20], [sflag:$0x1] =	stream.linear.gather @p0 [hbm4b:s4+s19], $0x2000, $0x38;
	[tilespmem:$0x1A280] =	vst v63  }
0x5f: {  	s18 =	sadd.s32 @!p0 s0, s18;
	s19 =	simm.s32 @!p0 $0x400;
	s20 =	simm.s32 @!p0 $0x7A1400  }
0x60: {  	[tilespmem:s21], [sflag:$0x1] =	stream.strided.gather @!p0 [hbm4b:s18+s19], $0x2000, s20, s19, $0x38;
	[tilespmem:$0x1A280] =	vst v63  }
0x61: {  	s18 =	spop (v2sf)  }
0x62: {  	p0 =	sgt.u32 s18, $0x1E83  }
0x63: {  	s19 =	simm.s32 @p0 $0x0  }
0x64: {  	s20 =	simm.s32 @p0 $0xC280;
	s18 =	sshll.u32 @!p0 s18, $0x7;
	s21 =	simm.s32 @!p0 $0xC280  }
0x65: {  	[tilespmem:s20], [sflag:$0x1] =	stream.linear.gather @p0 [hbm4b:s4+s19], $0x2000, $0x38;
	[tilespmem:$0x1A280] =	vst v63  }
0x66: {  	s18 =	sadd.s32 @!p0 s0, s18;
	s19 =	simm.s32 @!p0 $0x400;
	s20 =	simm.s32 @!p0 $0x7A1400  }
0x67: {  	[tilespmem:s21], [sflag:$0x1] =	stream.strided.gather @!p0 [hbm4b:s18+s19], $0x2000, s20, s19, $0x38;
	[tilespmem:$0x1A280] =	vst v63  }
0x68: {  	s18 =	spop (v2sf)  }
0x69: {  	p0 =	sgt.u32 s18, $0x1E83  }
0x6a: {  	s19 =	simm.s32 @p0 $0x0  }
0x6b: {  	s20 =	simm.s32 @p0 $0xE280;
	s18 =	sshll.u32 @!p0 s18, $0x7;
	s21 =	simm.s32 @!p0 $0xE280  }
0x6c: {  	[tilespmem:s20], [sflag:$0x1] =	stream.linear.gather @p0 [hbm4b:s4+s19], $0x2000, $0x38;
	[tilespmem:$0x1A280] =	vst v63  }
0x6d: {  	s18 =	sadd.s32 @!p0 s0, s18;
	s19 =	simm.s32 @!p0 $0x400;
	s20 =	simm.s32 @!p0 $0x7A1400  }
0x6e: {  	[tilespmem:s21], [sflag:$0x1] =	stream.strided.gather @!p0 [hbm4b:s18+s19], $0x2000, s20, s19, $0x38;
	[tilespmem:$0x1A280] =	vst v63  }
0x6f: {  	s18 =	simm.s32 $0x7;
	s19 =	simm.s32 $0x0  }
.LBB2_2:
0x70: {  	v36 =	vld [tilespmem:s19+$0x0];
	_ =	sdelay $0x4  }
0x71: {  	v37 =	vand.u32 $0x7F, v36  }
0x72: {  	v38 =	vbroadcast v37, $0x0;
	_ =	sdelay $0x1  }
0x73: {  	s20 =	sadd.s32 $0xFFFFFFF9, s18;
	v39 =	vor.u32 v0, v38  }
0x74: {  	v40 =	vmov s20  }
0x75: {  	_ =	swait.ge [sflag:s13], $0x2000;
	v41 =	vshll.u32 v40, $0x3  }
0x76: {  	[sflag:s13] =	ssyncset.done $0x0;
	v40 =	vand.u32 $0x78, v40;
	v41 =	vand.u32 $0xC00, v41  }
0x77: {  	[sflag:s13] =	ssyncadd.s32 $0xFFFFE000;
	v40 =	vor.u32 v40, v41  }
0x78: {  	v41 =	vor.u32 v1, v40;
	v39 =	vld.idx.msk [tilespmem:v39+s14+$0x0], $0xffff  }
0x79: {  	v42 =	vor.u32 v2, v38;
	_ =	sdelay $0x1  }
0x7a: {  	p0 =	seq.s32 s18, $0x1FF;
	v36 =	vshrl.u32 v36, $0x7  }
0x7b: {  	(v2sf) =	vpush @!p0 v36, $0x8  }
0x7c: {  	[tilespmem:v41+s15+$0x0] =	vst.idx.msk $0xffff, v39  }
0x7d: {  	v55 =	vor.u32 v3, v40;
	v39 =	vld.idx.msk [tilespmem:v42+s14+$0x0], $0xffff  }
0x7e: {  	v56 =	vor.u32 v4, v38;
	_ =	sdelay $0x3  }
0x7f: {  	[tilespmem:v55+s15+$0x0] =	vst.idx.msk $0xffff, v39  }
0x80: {  	v57 =	vor.u32 v5, v40;
	v39 =	vld.idx.msk [tilespmem:v56+s14+$0x0], $0xffff  }
0x81: {  	v38 =	vor.u32 v6, v38;
	_ =	sdelay $0x3  }
0x82: {  	[tilespmem:v57+s15+$0x0] =	vst.idx.msk $0xffff, v39  }
0x83: {  	v58 =	vor.u32 v7, v40;
	v38 =	vld.idx.msk [tilespmem:v38+s14+$0x0], $0xffff  }
0x84: {  	s20 =	spop @!p0 (v2sf)  }
0x85: {  	p1 =	sgt.u32 @!p0 s20, $0x1E83  }
0x86: {  	p2 =	por !p1, p0  }
0x87: {  	s24 =	sadd.s32 $0xFFFFFFFA, s18;
	p1 =	por p1, p0;
	s21 =	simm.s32 @!p2 $0x0  }
0x88: {  	v59 =	vbroadcast v37, $0x1;
	s22 =	simm.s32 @!p2 $0x280;
	s20 =	sshll.u32 @!p1 s20, $0x7;
	s23 =	simm.s32 @!p1 $0x280;
	[tilespmem:v58+s15+$0x0] =	vst.idx.msk $0xffff, v38  }
0x89: {  	[tilespmem:s22], [sflag:$0x1] =	stream.linear.gather @!p2 [hbm4b:s4+s21], $0x2000, $0x38;
	[tilespmem:$0x1A280] =	vst v63  }
0x8a: {  	v60 =	vor.u32 v8, v59;
	s20 =	sadd.s32 @!p1 s0, s20;
	s21 =	simm.s32 @!p1 $0x400;
	s22 =	simm.s32 @!p1 $0x7A1400  }
0x8b: {  	v61 =	vmov s24;
	[tilespmem:s23], [sflag:$0x1] =	stream.strided.gather @!p1 [hbm4b:s20+s21], $0x2000, s22, s21, $0x38;
	[tilespmem:$0x1A280] =	vst v63  }
0x8c: {  	v62 =	vshll.u32 v61, $0x3;
	_ =	swait.ge [sflag:s13], $0x2000  }
0x8d: {  	v40 =	vand.u32 $0x79, v61;
	v41 =	vand.u32 $0xC00, v62;
	[sflag:s13] =	ssyncset.done $0x0  }
0x8e: {  	v40 =	vor.u32 v40, v41;
	[sflag:s13] =	ssyncadd.s32 $0xFFFFE000  }
0x8f: {  	v41 =	vor.u32 v1, v40;
	v39 =	vld.idx.msk [tilespmem:v60+s14+$0x0], $0xffff  }
0x90: {  	v63 =	vor.u32 v9, v59;
	_ =	sdelay $0x2  }
0x91: {  	(v2sf) =	vpush @!p0 v36, $0x9  }
0x92: {  	[tilespmem:v41+s15+$0x0] =	vst.idx.msk $0xffff, v39  }
0x93: {  	v45 =	vor.u32 v3, v40;
	v39 =	vld.idx.msk [tilespmem:v63+s14+$0x0], $0xffff  }
0x94: {  	v46 =	vor.u32 v10, v59;
	_ =	sdelay $0x3  }
0x95: {  	[tilespmem:v45+s15+$0x0] =	vst.idx.msk $0xffff, v39  }
0x96: {  	v47 =	vor.u32 v5, v40;
	v39 =	vld.idx.msk [tilespmem:v46+s14+$0x0], $0xffff  }
0x97: {  	v38 =	vor.u32 v11, v59;
	_ =	sdelay $0x3  }
0x98: {  	[tilespmem:v47+s15+$0x0] =	vst.idx.msk $0xffff, v39  }
0x99: {  	v48 =	vor.u32 v7, v40;
	v38 =	vld.idx.msk [tilespmem:v38+s14+$0x0], $0xffff  }
0x9a: {  	s20 =	spop @!p0 (v2sf)  }
0x9b: {  	p1 =	sgt.u32 @!p0 s20, $0x1E83  }
0x9c: {  	p2 =	por !p1, p0  }
0x9d: {  	s26 =	sadd.s32 $0xFFFFFFFB, s18;
	p1 =	por p1, p0;
	s21 =	simm.s32 @!p2 $0x0  }
0x9e: {  	v49 =	vbroadcast v37, $0x2;
	s22 =	simm.s32 @!p2 $0x2280;
	s20 =	sshll.u32 @!p1 s20, $0x7;
	s23 =	simm.s32 @!p1 $0x2280;
	[tilespmem:v48+s15+$0x0] =	vst.idx.msk $0xffff, v38  }
0x9f: {  	[tilespmem:s22], [sflag:$0x1] =	stream.linear.gather @!p2 [hbm4b:s4+s21], $0x2000, $0x38;
	[tilespmem:$0x1A280] =	vst v63  }
0xa0: {  	v50 =	vor.u32 v12, v49;
	s20 =	sadd.s32 @!p1 s0, s20;
	s21 =	simm.s32 @!p1 $0x400;
	s22 =	simm.s32 @!p1 $0x7A1400  }
0xa1: {  	v51 =	vmov s26;
	[tilespmem:s23], [sflag:$0x1] =	stream.strided.gather @!p1 [hbm4b:s20+s21], $0x2000, s22, s21, $0x38;
	[tilespmem:$0x1A280] =	vst v63  }
0xa2: {  	v52 =	vshll.u32 v51, $0x3;
	_ =	swait.ge [sflag:s13], $0x2000  }
0xa3: {  	v40 =	vand.u32 $0x7A, v51;
	v41 =	vand.u32 $0xC00, v52;
	[sflag:s13] =	ssyncset.done $0x0  }
0xa4: {  	v40 =	vor.u32 v40, v41;
	[sflag:s13] =	ssyncadd.s32 $0xFFFFE000  }
0xa5: {  	v41 =	vor.u32 v1, v40;
	v39 =	vld.idx.msk [tilespmem:v50+s14+$0x0], $0xffff  }
0xa6: {  	v53 =	vor.u32 v13, v49;
	_ =	sdelay $0x2  }
0xa7: {  	(v2sf) =	vpush @!p0 v36, $0xA  }
0xa8: {  	[tilespmem:v41+s15+$0x0] =	vst.idx.msk $0xffff, v39  }
0xa9: {  	v54 =	vor.u32 v3, v40;
	v39 =	vld.idx.msk [tilespmem:v53+s14+$0x0], $0xffff  }
0xaa: {  	v55 =	vor.u32 v14, v49;
	_ =	sdelay $0x3  }
0xab: {  	[tilespmem:v54+s15+$0x0] =	vst.idx.msk $0xffff, v39  }
0xac: {  	v56 =	vor.u32 v5, v40;
	v39 =	vld.idx.msk [tilespmem:v55+s14+$0x0], $0xffff  }
0xad: {  	v38 =	vor.u32 v15, v49;
	_ =	sdelay $0x3  }
0xae: {  	[tilespmem:v56+s15+$0x0] =	vst.idx.msk $0xffff, v39  }
0xaf: {  	v57 =	vor.u32 v7, v40;
	v38 =	vld.idx.msk [tilespmem:v38+s14+$0x0], $0xffff  }
0xb0: {  	s20 =	spop @!p0 (v2sf)  }
0xb1: {  	p1 =	sgt.u32 @!p0 s20, $0x1E83  }
0xb2: {  	p2 =	por !p1, p0  }
0xb3: {  	s28 =	sadd.s32 $0xFFFFFFFC, s18;
	p1 =	por p1, p0;
	s21 =	simm.s32 @!p2 $0x0  }
0xb4: {  	v58 =	vbroadcast v37, $0x3;
	s22 =	simm.s32 @!p2 $0x4280;
	s20 =	sshll.u32 @!p1 s20, $0x7;
	s23 =	simm.s32 @!p1 $0x4280;
	[tilespmem:v57+s15+$0x0] =	vst.idx.msk $0xffff, v38  }
0xb5: {  	[tilespmem:s22], [sflag:$0x1] =	stream.linear.gather @!p2 [hbm4b:s4+s21], $0x2000, $0x38;
	[tilespmem:$0x1A280] =	vst v63  }
0xb6: {  	v59 =	vor.u32 v16, v58;
	s20 =	sadd.s32 @!p1 s0, s20;
	s21 =	simm.s32 @!p1 $0x400;
	s22 =	simm.s32 @!p1 $0x7A1400  }
0xb7: {  	v60 =	vmov s28;
	[tilespmem:s23], [sflag:$0x1] =	stream.strided.gather @!p1 [hbm4b:s20+s21], $0x2000, s22, s21, $0x38;
	[tilespmem:$0x1A280] =	vst v63  }
0xb8: {  	v61 =	vshll.u32 v60, $0x3;
	_ =	swait.ge [sflag:s13], $0x2000  }
0xb9: {  	v40 =	vand.u32 $0x7B, v60;
	v41 =	vand.u32 $0xC00, v61;
	[sflag:s13] =	ssyncset.done $0x0  }
0xba: {  	v40 =	vor.u32 v40, v41;
	[sflag:s13] =	ssyncadd.s32 $0xFFFFE000  }
0xbb: {  	v41 =	vor.u32 v1, v40;
	v39 =	vld.idx.msk [tilespmem:v59+s14+$0x0], $0xffff  }
0xbc: {  	v62 =	vor.u32 v17, v58;
	_ =	sdelay $0x2  }
0xbd: {  	(v2sf) =	vpush @!p0 v36, $0xB  }
0xbe: {  	[tilespmem:v41+s15+$0x0] =	vst.idx.msk $0xffff, v39  }
0xbf: {  	v63 =	vor.u32 v3, v40;
	v39 =	vld.idx.msk [tilespmem:v62+s14+$0x0], $0xffff  }
0xc0: {  	v45 =	vor.u32 v18, v58;
	_ =	sdelay $0x3  }
0xc1: {  	[tilespmem:v63+s15+$0x0] =	vst.idx.msk $0xffff, v39  }
0xc2: {  	v46 =	vor.u32 v5, v40;
	v39 =	vld.idx.msk [tilespmem:v45+s14+$0x0], $0xffff  }
0xc3: {  	v38 =	vor.u32 v19, v58;
	_ =	sdelay $0x3  }
0xc4: {  	[tilespmem:v46+s15+$0x0] =	vst.idx.msk $0xffff, v39  }
0xc5: {  	v47 =	vor.u32 v7, v40;
	v38 =	vld.idx.msk [tilespmem:v38+s14+$0x0], $0xffff  }
0xc6: {  	s20 =	spop @!p0 (v2sf)  }
0xc7: {  	p1 =	sgt.u32 @!p0 s20, $0x1E83  }
0xc8: {  	p2 =	por !p1, p0  }
0xc9: {  	s29 =	sadd.s32 $0xFFFFFFFD, s18;
	p1 =	por p1, p0;
	s21 =	simm.s32 @!p2 $0x0  }
0xca: {  	v48 =	vbroadcast v37, $0x4;
	s22 =	simm.s32 @!p2 $0x6280;
	s20 =	sshll.u32 @!p1 s20, $0x7;
	s23 =	simm.s32 @!p1 $0x6280;
	[tilespmem:v47+s15+$0x0] =	vst.idx.msk $0xffff, v38  }
0xcb: {  	[tilespmem:s22], [sflag:$0x1] =	stream.linear.gather @!p2 [hbm4b:s4+s21], $0x2000, $0x38;
	[tilespmem:$0x1A280] =	vst v63  }
0xcc: {  	v49 =	vor.u32 v20, v48;
	s20 =	sadd.s32 @!p1 s0, s20;
	s21 =	simm.s32 @!p1 $0x400;
	s22 =	simm.s32 @!p1 $0x7A1400  }
0xcd: {  	v50 =	vmov s29;
	[tilespmem:s23], [sflag:$0x1] =	stream.strided.gather @!p1 [hbm4b:s20+s21], $0x2000, s22, s21, $0x38;
	[tilespmem:$0x1A280] =	vst v63  }
0xce: {  	v51 =	vshll.u32 v50, $0x3;
	_ =	swait.ge [sflag:s13], $0x2000  }
0xcf: {  	v40 =	vand.u32 $0x7C, v50;
	v41 =	vand.u32 $0xC00, v51;
	[sflag:s13] =	ssyncset.done $0x0  }
0xd0: {  	v40 =	vor.u32 v40, v41;
	[sflag:s13] =	ssyncadd.s32 $0xFFFFE000  }
0xd1: {  	v41 =	vor.u32 v1, v40;
	v39 =	vld.idx.msk [tilespmem:v49+s14+$0x0], $0xffff  }
0xd2: {  	v52 =	vor.u32 v21, v48;
	_ =	sdelay $0x2  }
0xd3: {  	(v2sf) =	vpush @!p0 v36, $0xC  }
0xd4: {  	[tilespmem:v41+s15+$0x0] =	vst.idx.msk $0xffff, v39  }
0xd5: {  	v53 =	vor.u32 v3, v40;
	v39 =	vld.idx.msk [tilespmem:v52+s14+$0x0], $0xffff  }
0xd6: {  	v54 =	vor.u32 v22, v48;
	_ =	sdelay $0x3  }
0xd7: {  	[tilespmem:v53+s15+$0x0] =	vst.idx.msk $0xffff, v39  }
0xd8: {  	v55 =	vor.u32 v5, v40;
	v39 =	vld.idx.msk [tilespmem:v54+s14+$0x0], $0xffff  }
0xd9: {  	v38 =	vor.u32 v23, v48;
	_ =	sdelay $0x3  }
0xda: {  	[tilespmem:v55+s15+$0x0] =	vst.idx.msk $0xffff, v39  }
0xdb: {  	v56 =	vor.u32 v7, v40;
	v38 =	vld.idx.msk [tilespmem:v38+s14+$0x0], $0xffff  }
0xdc: {  	s20 =	spop @!p0 (v2sf)  }
0xdd: {  	p1 =	sgt.u32 @!p0 s20, $0x1E83  }
0xde: {  	p2 =	por !p1, p0  }
0xdf: {  	s30 =	sadd.s32 $0xFFFFFFFE, s18;
	p1 =	por p1, p0;
	s21 =	simm.s32 @!p2 $0x0  }
0xe0: {  	v57 =	vbroadcast v37, $0x5;
	s22 =	simm.s32 @!p2 $0x8280;
	s20 =	sshll.u32 @!p1 s20, $0x7;
	s23 =	simm.s32 @!p1 $0x8280;
	[tilespmem:v56+s15+$0x0] =	vst.idx.msk $0xffff, v38  }
0xe1: {  	[tilespmem:s22], [sflag:$0x1] =	stream.linear.gather @!p2 [hbm4b:s4+s21], $0x2000, $0x38;
	[tilespmem:$0x1A280] =	vst v63  }
0xe2: {  	v58 =	vor.u32 v24, v57;
	s20 =	sadd.s32 @!p1 s0, s20;
	s21 =	simm.s32 @!p1 $0x400;
	s22 =	simm.s32 @!p1 $0x7A1400  }
0xe3: {  	v59 =	vmov s30;
	[tilespmem:s23], [sflag:$0x1] =	stream.strided.gather @!p1 [hbm4b:s20+s21], $0x2000, s22, s21, $0x38;
	[tilespmem:$0x1A280] =	vst v63  }
0xe4: {  	v60 =	vshll.u32 v59, $0x3;
	_ =	swait.ge [sflag:s13], $0x2000  }
0xe5: {  	v40 =	vand.u32 $0x7D, v59;
	v41 =	vand.u32 $0xC00, v60;
	[sflag:s13] =	ssyncset.done $0x0  }
0xe6: {  	v40 =	vor.u32 v40, v41;
	[sflag:s13] =	ssyncadd.s32 $0xFFFFE000  }
0xe7: {  	v41 =	vor.u32 v1, v40;
	v39 =	vld.idx.msk [tilespmem:v58+s14+$0x0], $0xffff  }
0xe8: {  	v61 =	vor.u32 v25, v57;
	_ =	sdelay $0x2  }
0xe9: {  	(v2sf) =	vpush @!p0 v36, $0xD  }
0xea: {  	[tilespmem:v41+s15+$0x0] =	vst.idx.msk $0xffff, v39  }
0xeb: {  	v62 =	vor.u32 v3, v40;
	v39 =	vld.idx.msk [tilespmem:v61+s14+$0x0], $0xffff  }
0xec: {  	v63 =	vor.u32 v26, v57;
	_ =	sdelay $0x3  }
0xed: {  	[tilespmem:v62+s15+$0x0] =	vst.idx.msk $0xffff, v39  }
0xee: {  	v45 =	vor.u32 v5, v40;
	v39 =	vld.idx.msk [tilespmem:v63+s14+$0x0], $0xffff  }
0xef: {  	v38 =	vor.u32 v27, v57;
	_ =	sdelay $0x3  }
0xf0: {  	[tilespmem:v45+s15+$0x0] =	vst.idx.msk $0xffff, v39  }
0xf1: {  	v46 =	vor.u32 v7, v40;
	v38 =	vld.idx.msk [tilespmem:v38+s14+$0x0], $0xffff  }
0xf2: {  	s20 =	spop @!p0 (v2sf)  }
0xf3: {  	p1 =	sgt.u32 @!p0 s20, $0x1E83  }
0xf4: {  	p2 =	por !p1, p0  }
0xf5: {  	s31 =	sadd.s32 $0xFFFFFFFF, s18;
	p1 =	por p1, p0;
	s21 =	simm.s32 @!p2 $0x0  }
0xf6: {  	v47 =	vbroadcast v37, $0x6;
	s22 =	simm.s32 @!p2 $0xA280;
	s20 =	sshll.u32 @!p1 s20, $0x7;
	s23 =	simm.s32 @!p1 $0xA280;
	[tilespmem:v46+s15+$0x0] =	vst.idx.msk $0xffff, v38  }
0xf7: {  	[tilespmem:s22], [sflag:$0x1] =	stream.linear.gather @!p2 [hbm4b:s4+s21], $0x2000, $0x38;
	[tilespmem:$0x1A280] =	vst v63  }
0xf8: {  	v48 =	vor.u32 v28, v47;
	s20 =	sadd.s32 @!p1 s0, s20;
	s21 =	simm.s32 @!p1 $0x400;
	s22 =	simm.s32 @!p1 $0x7A1400  }
0xf9: {  	v49 =	vmov s31;
	[tilespmem:s23], [sflag:$0x1] =	stream.strided.gather @!p1 [hbm4b:s20+s21], $0x2000, s22, s21, $0x38;
	[tilespmem:$0x1A280] =	vst v63  }
0xfa: {  	v50 =	vshll.u32 v49, $0x3;
	_ =	swait.ge [sflag:s13], $0x2000  }
0xfb: {  	v40 =	vand.u32 $0x7E, v49;
	v41 =	vand.u32 $0xC00, v50;
	[sflag:s13] =	ssyncset.done $0x0  }
0xfc: {  	v40 =	vor.u32 v40, v41;
	[sflag:s13] =	ssyncadd.s32 $0xFFFFE000  }
0xfd: {  	v41 =	vor.u32 v1, v40;
	v39 =	vld.idx.msk [tilespmem:v48+s14+$0x0], $0xffff  }
0xfe: {  	v51 =	vor.u32 v29, v47;
	_ =	sdelay $0x2  }
0xff: {  	(v2sf) =	vpush @!p0 v36, $0xE  }
0x100: {  	[tilespmem:v41+s15+$0x0] =	vst.idx.msk $0xffff, v39  }
0x101: {  	v52 =	vor.u32 v3, v40;
	v39 =	vld.idx.msk [tilespmem:v51+s14+$0x0], $0xffff  }
0x102: {  	v53 =	vor.u32 v30, v47;
	_ =	sdelay $0x3  }
0x103: {  	[tilespmem:v52+s15+$0x0] =	vst.idx.msk $0xffff, v39  }
0x104: {  	v54 =	vor.u32 v5, v40;
	v39 =	vld.idx.msk [tilespmem:v53+s14+$0x0], $0xffff  }
0x105: {  	v38 =	vor.u32 v31, v47;
	_ =	sdelay $0x3  }
0x106: {  	[tilespmem:v54+s15+$0x0] =	vst.idx.msk $0xffff, v39  }
0x107: {  	v55 =	vor.u32 v7, v40;
	v38 =	vld.idx.msk [tilespmem:v38+s14+$0x0], $0xffff  }
0x108: {  	s20 =	spop @!p0 (v2sf)  }
0x109: {  	p1 =	sgt.u32 @!p0 s20, $0x1E83  }
0x10a: {  	p2 =	por !p1, p0  }
0x10b: {  	p1 =	por p1, p0;
	s21 =	simm.s32 @!p2 $0x0  }
0x10c: {  	v37 =	vbroadcast v37, $0x7;
	s22 =	simm.s32 @!p2 $0xC280;
	s20 =	sshll.u32 @!p1 s20, $0x7;
	s23 =	simm.s32 @!p1 $0xC280;
	[tilespmem:v55+s15+$0x0] =	vst.idx.msk $0xffff, v38  }
0x10d: {  	[tilespmem:s22], [sflag:$0x1] =	stream.linear.gather @!p2 [hbm4b:s4+s21], $0x2000, $0x38;
	[tilespmem:$0x1A280] =	vst v63  }
0x10e: {  	v56 =	vor.u32 v32, v37;
	s20 =	sadd.s32 @!p1 s0, s20;
	s21 =	simm.s32 @!p1 $0x400;
	s22 =	simm.s32 @!p1 $0x7A1400  }
0x10f: {  	v57 =	vmov s18;
	[tilespmem:s23], [sflag:$0x1] =	stream.strided.gather @!p1 [hbm4b:s20+s21], $0x2000, s22, s21, $0x38;
	[tilespmem:$0x1A280] =	vst v63  }
0x110: {  	v58 =	vshll.u32 v57, $0x3;
	_ =	swait.ge [sflag:s13], $0x2000  }
0x111: {  	v40 =	vand.u32 $0xC00, v58;
	v39 =	vand.u32 $0x7F, v57;
	[sflag:s13] =	ssyncset.done $0x0  }
0x112: {  	v39 =	vor.u32 v39, v40;
	[sflag:s13] =	ssyncadd.s32 $0xFFFFE000  }
0x113: {  	v40 =	vor.u32 v1, v39;
	v38 =	vld.idx.msk [tilespmem:v56+s14+$0x0], $0xffff  }
0x114: {  	v59 =	vor.u32 v33, v37;
	_ =	sdelay $0x3  }
0x115: {  	[tilespmem:v40+s15+$0x0] =	vst.idx.msk $0xffff, v38  }
0x116: {  	v60 =	vor.u32 v3, v39;
	v38 =	vld.idx.msk [tilespmem:v59+s14+$0x0], $0xffff  }
0x117: {  	v61 =	vor.u32 v34, v37;
	_ =	sdelay $0x3  }
0x118: {  	[tilespmem:v60+s15+$0x0] =	vst.idx.msk $0xffff, v38  }
0x119: {  	v62 =	vor.u32 v5, v39;
	v38 =	vld.idx.msk [tilespmem:v61+s14+$0x0], $0xffff  }
0x11a: {  	v37 =	vor.u32 v35, v37;
	_ =	sdelay $0x3  }
0x11b: {  	[tilespmem:v62+s15+$0x0] =	vst.idx.msk $0xffff, v38  }
0x11c: {  	v63 =	vor.u32 v7, v39;
	v37 =	vld.idx.msk [tilespmem:v37+s14+$0x0], $0xffff  }
.Ltmp2:
0x11d: {  	_ = 	snop;
	(pc) =	sbr.rel @p0 .LBB2_4-.Ltmp2, $2  }
0x11e: {  	_ =	sdelay $0x2  }
0x11f: {  	[tilespmem:v63+s15+$0x0] =	vst.idx.msk $0xffff, v37  }
0x120: {  	(v2sf) =	vpush v36, $0xF;
	_ =	sdelay $0xe  }
0x121: {  	s20 =	spop (v2sf)  }
0x122: {  	s18 =	sadd.s32 $0x8, s18;
	p0 =	sgt.u32 s20, $0x1E83  }
.Ltmp3:
0x123: {  	s19 =	sadd.s32 $0x8, s19;
	s21 =	simm.s32 @p0 $0x0;
	(pc) =	sbr.rel .LBB2_2-.Ltmp3, $4  }
0x124: {  	s22 =	simm.s32 @p0 $0xE280;
	s20 =	sshll.u32 @!p0 s20, $0x7;
	s23 =	simm.s32 @!p0 $0xE280  }
0x125: {  	[tilespmem:s22], [sflag:$0x1] =	stream.linear.gather @p0 [hbm4b:s4+s21], $0x2000, $0x38;
	[tilespmem:$0x1A280] =	vst v63  }
0x126: {  	s20 =	sadd.s32 @!p0 s0, s20;
	s21 =	simm.s32 @!p0 $0x400;
	s22 =	simm.s32 @!p0 $0x7A1400  }
0x127: {  	[tilespmem:s23], [sflag:$0x1] =	stream.strided.gather @!p0 [hbm4b:s20+s21], $0x2000, s22, s21, $0x38;
	[tilespmem:$0x1A280] =	vst v63  }
.LBB2_5:
0x128: {  	_ =	sfence.sel $0x180000  }
0x129: {  	[bflag:$0x0] =	sbarrier.arrive $0xFFFF  }
0x12a: {  	p0 =	sne.s32 s2, $0x0;
	_ =	strace $0x90000047  }
0x12b: {  	s0 =	sadd.s32 @!p0 $0x100000, s1;
	[bflag:$0x2] =	sbarrier.arrive $0xFFFF  }
0x12c: {  	[sflag:s0] =	ssyncadd.tile.s32 @!p0 $0x1;
	_ =	shalt  }
.Lfunc_end2:
_tile_overlayer_lowered:
.L_overlay_start_2:
0x12d: {  	(tag) =	ssettag $0x2  }
0x12e: {  	s0 =	rddreg [dreg:$0x0];
	s2 =	stileid.u32  }
0x12f: {  	s1 =	rddreg [dreg:$0x1];
	p0 =	sne.s32 s2, $0x0  }
0x130: {  	s3 =	rddreg [dreg:$0x2];
	[bflag:$0x3] =	sbarrier.arrive $0xFFFF;
	s2 =	simm.s32 @!p0 $0x1C03  }
0x131: {  	[timem:s3], [sflag:s2] =	dma.local @!p0 [hbm:s0], s1  }
0x132: {  	s0 =	simm.s32 @!p0 $0x3  }
0x133: {  	_ =	swait.ge @!p0 [sflag:s0], s1  }
0x134: {  	s1 =	ssub.s32 @!p0 $0x0, s1;
	[sflag:s0] =	ssyncset.done @!p0 $0x0  }
0x135: {  	[sflag:s0] =	ssyncadd.s32 @!p0 s1  }
0x136: {  	[bflag:$0x3] =	sbarrier.arrive $0xFFFF  }
0x137: {  	_ =	shalt  }

</sc_bundles>
